<compile_context>
chip_gen: v7x
topology: tpu7x:2x2x1
jax: 0.10.2.dev20260603
libtpu: 0.0.44.dev20260713+nightly
codegen_flags: <defaults>
</compile_context>

<pallas_src>
import functools

import jax
import jax.numpy as jnp
import numpy as np
from jax.experimental import pallas as pl
from jax.experimental.pallas import tpu as pltpu
from jax.experimental.pallas import tpu_sc as plsc

B, N = 2, 4096
D = 1024
H = 16
HD = 64
K = 4
CAP = N // K
SLOTS = B * K * CAP
XT_ROWS = SLOTS + CAP
NEG = -1e9

TN = 1024
TI = 1024
TR = 1024
NT = N // TN
IT = N // TI


def _rope_consts():
    inv_freq = 1.0 / (10000.0 ** (np.arange(0, HD, 2).astype(np.float32) / HD))
    t = np.arange(CAP, dtype=np.float32)
    freqs = np.outer(t, inv_freq)
    emb = np.concatenate([freqs, freqs], axis=-1)
    return (jnp.asarray(np.cos(emb), dtype=jnp.float32),
            jnp.asarray(np.sin(emb), dtype=jnp.float32))



def _route_body(x_ref, wrT_ref, w_ref, c_ref, cnt_ref, ps_ref):
    x = x_ref[0, 0]
    logits = jnp.dot(x, wrT_ref[...], preferred_element_type=jnp.float32)
    m = jnp.max(logits, axis=1, keepdims=True)
    e = jnp.exp(logits - m)
    s = jnp.sum(e, axis=1, keepdims=True)
    probs = e / s
    kio = jax.lax.broadcasted_iota(jnp.int32, (TN, K), 1)
    is_max = logits == m
    choice = jnp.min(jnp.where(is_max, kio, K), axis=1)
    w = jnp.max(probs, axis=1)
    onehot = (kio == choice[:, None]).astype(jnp.float32)
    w_ref[...] = w.reshape(1, 1, TN)
    c_ref[...] = choice.reshape(1, 1, TN)

    @pl.when(pl.program_id(1) == 0)
    def _():
        cnt_ref[...] = jnp.zeros_like(cnt_ref)
        ps_ref[...] = jnp.zeros_like(ps_ref)

    cnt_ref[...] += jnp.sum(onehot, axis=0).reshape(1, 1, K)
    ps_ref[...] += jnp.sum(probs, axis=0).reshape(1, 1, K)


def _route(x, WrT):
    xb = x.reshape(B, NT, TN, D)
    w, c, cnt, ps = pl.pallas_call(
        _route_body,
        grid=(B, NT),
        in_specs=[
            pl.BlockSpec((1, 1, TN, D), lambda b, t: (b, t, 0, 0)),
            pl.BlockSpec((D, K), lambda b, t: (0, 0)),
        ],
        out_specs=[
            pl.BlockSpec((1, 1, TN), lambda b, t: (b * NT + t, 0, 0)),
            pl.BlockSpec((1, 1, TN), lambda b, t: (b * NT + t, 0, 0)),
            pl.BlockSpec((1, 1, K), lambda b, t: (b, 0, 0)),
            pl.BlockSpec((1, 1, K), lambda b, t: (b, 0, 0)),
        ],
        out_shape=[
            jax.ShapeDtypeStruct((B * NT, 1, TN), jnp.float32),
            jax.ShapeDtypeStruct((B * NT, 1, TN), jnp.int32),
            jax.ShapeDtypeStruct((B, 1, K), jnp.float32),
            jax.ShapeDtypeStruct((B, 1, K), jnp.float32),
        ],
    )(xb, WrT)
    return w.reshape(B, N), c.reshape(B, N), cnt.reshape(B, K), ps.reshape(B, K)



def _rank_body(wc_ref, cc_ref, wr_ref, cr_ref, cnt_ref, ps_ref,
               ss_ref, sg_ref, wv_ref, aux_ref):
    b = pl.program_id(0)
    i = pl.program_id(1)
    wi = wc_ref[0, 0]
    ci = cc_ref[0, 0]
    wj = wr_ref[0, 0]
    cj = cr_ref[0, 0]
    same = ci == cj
    jio = jax.lax.broadcasted_iota(jnp.int32, (TI, N), 1)
    iio = jax.lax.broadcasted_iota(jnp.int32, (TI, N), 0) + i * TI
    beats = (wj > wi) | ((wj == wi) & (jio < iio))
    ind = jnp.where(same & beats, 1.0, 0.0)
    rank = jnp.sum(ind, axis=1).astype(jnp.int32)
    cif = ci[:, 0]
    valid = rank < CAP
    slot = b * (K * CAP) + cif * CAP + rank
    ss_ref[...] = jnp.where(valid, slot, SLOTS).reshape(1, 1, TI)
    sg_ref[...] = jnp.where(valid, slot, 0).reshape(1, 1, TI)
    wv_ref[...] = jnp.where(valid, wi[:, 0], 0.0).reshape(1, 1, TI)

    @pl.when((b == 0) & (i == 0))
    def _():
        aux_ref[...] = jnp.zeros_like(aux_ref)

    @pl.when(i == 0)
    def _():
        f = cnt_ref[0] / float(N)
        p = ps_ref[0] / float(N)
        aux_ref[...] += (K / B) * jnp.sum(f * p).reshape(1, 1)

    @pl.when((b == B - 1) & (i == IT - 1))
    def _():
        aux_ref[...] = jnp.clip(aux_ref[...], 0.0, 10.0)


def _rank(w, c, cnt, ps):
    wc = w.reshape(B, IT, TI, 1)
    cc = c.reshape(B, IT, TI, 1)
    wr = w.reshape(B, 1, 1, N)
    cr = c.reshape(B, 1, 1, N)
    ss, sg, wv, aux = pl.pallas_call(
        _rank_body,
        grid=(B, IT),
        in_specs=[
            pl.BlockSpec((1, 1, TI, 1), lambda b, i: (b, i, 0, 0)),
            pl.BlockSpec((1, 1, TI, 1), lambda b, i: (b, i, 0, 0)),
            pl.BlockSpec((1, 1, 1, N), lambda b, i: (b, 0, 0, 0)),
            pl.BlockSpec((1, 1, 1, N), lambda b, i: (b, 0, 0, 0)),
            pl.BlockSpec((1, 1, K), lambda b, i: (b, 0, 0)),
            pl.BlockSpec((1, 1, K), lambda b, i: (b, 0, 0)),
        ],
        out_specs=[
            pl.BlockSpec((1, 1, TI), lambda b, i: (b * IT + i, 0, 0)),
            pl.BlockSpec((1, 1, TI), lambda b, i: (b * IT + i, 0, 0)),
            pl.BlockSpec((1, 1, TI), lambda b, i: (b * IT + i, 0, 0)),
            pl.BlockSpec((1, 1), lambda b, i: (0, 0)),
        ],
        out_shape=[
            jax.ShapeDtypeStruct((B * IT, 1, TI), jnp.int32),
            jax.ShapeDtypeStruct((B * IT, 1, TI), jnp.int32),
            jax.ShapeDtypeStruct((B * IT, 1, TI), jnp.float32),
            jax.ShapeDtypeStruct((1, 1), jnp.float32),
        ],
    )(wc, cc, wr, cr, cnt.reshape(B, 1, K), ps.reshape(B, 1, K))
    return (ss.reshape(B * N), sg.reshape(B * N), wv.reshape(B * N),
            aux.reshape(()))



NW = 32
RPW = (B * N) // NW
CH = 32


def _sc_scatter(x2, sidx):
    mesh = plsc.VectorSubcoreMesh(core_axis_name="c", subcore_axis_name="s")

    @functools.partial(
        pl.kernel,
        out_type=jax.ShapeDtypeStruct((XT_ROWS, D), jnp.float32),
        mesh=mesh,
        scratch_types=[
            pltpu.VMEM((CH,), jnp.int32),
            pltpu.VMEM((CH, D), jnp.float32),
            pltpu.SemaphoreType.DMA,
        ],
    )
    def scat(x_hbm, idx_hbm, out_hbm, idx_v, rows_v, sem):
        wid = jax.lax.axis_index("s") * 2 + jax.lax.axis_index("c")
        base = wid * RPW

        @pl.loop(0, RPW, step=CH)
        def _(off):
            pltpu.sync_copy(idx_hbm.at[pl.ds(base + off, CH)], idx_v)
            pltpu.sync_copy(x_hbm.at[pl.ds(base + off, CH)], rows_v)
            pltpu.async_copy(rows_v, out_hbm.at[idx_v], sem).wait()

    return scat(x2, sidx)



def _attn_body(xt_ref, wqT_ref, wkT_ref, wvT_ref, cos_ref, sin_ref, cntf_ref,
               ot_ref, q_s, k_s, v_s, o_s):
    cntv = cntf_ref[0].astype(jnp.int32)
    rio = jax.lax.broadcasted_iota(jnp.int32, (CAP, 1), 0)
    rowvalid = rio < cntv
    cos = cos_ref[...]
    sin = sin_ref[...]
    cos2 = jnp.concatenate([cos, cos], 1)
    sin2 = jnp.concatenate([sin, sin], 1)
    half = HD // 2
    HP = 2 * HD

    def proj(wT_ref, dst, do_rope):
        t = jnp.where(rowvalid, jnp.dot(xt_ref[0], wT_ref[...],
                                        preferred_element_type=jnp.float32), 0.0)
        for hp in range(H // 2):
            t2 = t[:, hp * HP:(hp + 1) * HP]
            if do_rope:
                rot2 = jnp.concatenate(
                    [-t2[:, half:HD], t2[:, :half],
                     -t2[:, HD + half:], t2[:, HD:HD + half]], 1)
                t2 = t2 * cos2 + rot2 * sin2
            dst[hp] = t2

    proj(wqT_ref, q_s, True)
    proj(wkT_ref, k_s, True)
    proj(wvT_ref, v_s, False)

    scale = HD ** -0.5
    TQ = 256

    def head(hp, carry):
        q2 = q_s[hp]
        k2 = k_s[hp]
        v2 = v_s[hp]
        for qi in range(CAP // TQ):
            KL = (qi + 1) * TQ
            kio = jax.lax.broadcasted_iota(jnp.int32, (TQ, KL), 1)
            qio = jax.lax.broadcasted_iota(jnp.int32, (TQ, KL), 0) + qi * TQ
            maskv = (kio <= qio) & (kio < cntv)
            qrows = slice(qi * TQ, (qi + 1) * TQ)
            outs = []
            for j in (0, 1):
                sl = slice(j * HD, (j + 1) * HD)
                logit = jax.lax.dot_general(
                    q2[qrows, sl], k2[:KL, sl], (((1,), (1,)), ((), ())),
                    preferred_element_type=jnp.float32) * scale
                logit = jnp.where(maskv, logit, NEG)
                mx = jnp.max(logit, axis=1, keepdims=True)
                p = jnp.exp(logit - mx)
                p = p / jnp.sum(p, axis=1, keepdims=True)
                outs.append(jnp.dot(p, v2[:KL, sl],
                                    preferred_element_type=jnp.float32))
            o_s[hp, qrows, :] = jnp.concatenate(outs, 1)
        return carry

    jax.lax.fori_loop(0, H // 2, head, 0)

    for hp in range(H // 2):
        ot_ref[0, :, hp * HP:(hp + 1) * HP] = o_s[hp]


def _attn(xt, WqT, WkT, WvT, cntf):
    cos, sin = _rope_consts()
    return pl.pallas_call(
        _attn_body,
        grid=(B * K,),
        in_specs=[
            pl.BlockSpec((1, CAP, D), lambda g: (g, 0, 0)),
            pl.BlockSpec((D, D), lambda g: (0, 0)),
            pl.BlockSpec((D, D), lambda g: (0, 0)),
            pl.BlockSpec((D, D), lambda g: (0, 0)),
            pl.BlockSpec((CAP, HD), lambda g: (0, 0)),
            pl.BlockSpec((CAP, HD), lambda g: (0, 0)),
            pl.BlockSpec((1, 1, 1), lambda g: (g, 0, 0)),
        ],
        out_specs=pl.BlockSpec((1, CAP, D), lambda g: (g, 0, 0)),
        out_shape=jax.ShapeDtypeStruct((B * K, CAP, D), jnp.float32),
        scratch_shapes=[
            pltpu.VMEM((H // 2, CAP, 2 * HD), jnp.float32),
            pltpu.VMEM((H // 2, CAP, 2 * HD), jnp.float32),
            pltpu.VMEM((H // 2, CAP, 2 * HD), jnp.float32),
            pltpu.VMEM((H // 2, CAP, 2 * HD), jnp.float32),
        ],
        compiler_params=pltpu.CompilerParams(
            vmem_limit_bytes=100 * 1024 * 1024,
        ),
    )(xt.reshape(XT_ROWS // CAP, CAP, D), WqT, WkT, WvT, cos, sin, cntf)



def _sc_gather(ot, gidx):
    mesh = plsc.VectorSubcoreMesh(core_axis_name="c", subcore_axis_name="s")

    @functools.partial(
        pl.kernel,
        out_type=jax.ShapeDtypeStruct((B * N, D), jnp.float32),
        mesh=mesh,
        scratch_types=[
            pltpu.VMEM((CH,), jnp.int32),
            pltpu.VMEM((CH, D), jnp.float32),
            pltpu.SemaphoreType.DMA,
        ],
    )
    def gat(ot_hbm, idx_hbm, out_hbm, idx_v, rows_v, sem):
        wid = jax.lax.axis_index("s") * 2 + jax.lax.axis_index("c")
        base = wid * RPW

        @pl.loop(0, RPW, step=CH)
        def _(off):
            pltpu.sync_copy(idx_hbm.at[pl.ds(base + off, CH)], idx_v)
            pltpu.async_copy(ot_hbm.at[idx_v], rows_v, sem).wait()
            pltpu.sync_copy(rows_v, out_hbm.at[pl.ds(base + off, CH)])

    return gat(ot, gidx)



def _wo_body(g_ref, wv_ref, woT_ref, out_ref):
    g = g_ref[...]
    wv = wv_ref[...]
    gm = jnp.where(wv > 0.0, g * wv, 0.0)
    out_ref[...] = jnp.dot(gm, woT_ref[...], preferred_element_type=jnp.float32)


def _wo(g, wv, WoT):
    return pl.pallas_call(
        _wo_body,
        grid=((B * N) // TR,),
        in_specs=[
            pl.BlockSpec((TR, D), lambda r: (r, 0)),
            pl.BlockSpec((TR, 1), lambda r: (r, 0)),
            pl.BlockSpec((D, D), lambda r: (0, 0)),
        ],
        out_specs=pl.BlockSpec((TR, D), lambda r: (r, 0)),
        out_shape=jax.ShapeDtypeStruct((B * N, D), jnp.float32),
    )(g, wv.reshape(B * N, 1), WoT)



def kernel(x, Wq, Wk, Wv, Wo, Wr):
    w, c, cnt, ps = _route(x, Wr.T)
    ss, sg, wv, aux = _rank(w, c, cnt, ps)
    xt = _sc_scatter(x.reshape(B * N, D), ss)
    cntf = cnt.reshape(B * K, 1, 1)
    ot = _attn(xt, Wq.T, Wk.T, Wv.T, cntf)
    g = _sc_gather(ot.reshape(SLOTS, D), sg)
    out = _wo(g, wv, Wo.T)
    return out.reshape(B, N, D), aux

# --- scband reference (transcript-rebuilt; emitter-appended) ---
"""Pipeline reference for scband-hyper-graph-fixed-capacity-81466939670770 (READ-ONLY COPY).

The authoritative reference and input builder live on the scoring server;
editing this copy changes nothing except your own understanding.
"""

import jax, jax.numpy as jnp
import numpy as np
import math

B, N = 2, 4096
EMBED_DIM = 1024
NUM_HEADS = 16
HEAD_DIM = EMBED_DIM // NUM_HEADS
NUM_TIMELINES = 4
MAX_SEQ_LEN = 8192
CAPACITY_FACTOR = 1.0


def _rope_cache():
    inv_freq = 1.0 / (10000.0 ** (np.arange(0, HEAD_DIM, 2).astype(np.float32) / HEAD_DIM))
    t = np.arange(MAX_SEQ_LEN, dtype=np.float32)
    freqs = np.outer(t, inv_freq)
    emb = np.concatenate([freqs, freqs], axis=-1)
    return jnp.asarray(np.cos(emb)), jnp.asarray(np.sin(emb))

COS_C, SIN_C = _rope_cache()


def _apply_rope(x, positions):
    cos = COS_C[positions]
    sin = SIN_C[positions]
    half = HEAD_DIM // 2
    x1, x2 = x[..., :half], x[..., half:]
    rotated = jnp.concatenate([-x2, x1], axis=-1)
    return x * cos + rotated * sin


def setup_inputs(seed: int = 0):
    key = jax.random.key(seed)
    ks = jax.random.split(key, 6)
    def xavier(k, shape):
        fan_in, fan_out = shape[1], shape[0]
        limit = math.sqrt(6.0 / (fan_in + fan_out))
        return jax.random.uniform(k, shape, jnp.float32, -limit, limit)
    x = jax.random.normal(ks[0], (B, N, EMBED_DIM), jnp.float32)
    Wq = xavier(ks[1], (NUM_HEADS * HEAD_DIM, EMBED_DIM))
    Wk = xavier(ks[2], (NUM_HEADS * HEAD_DIM, EMBED_DIM))
    Wv = xavier(ks[3], (NUM_HEADS * HEAD_DIM, EMBED_DIM))
    Wo = xavier(ks[4], (EMBED_DIM, NUM_HEADS * HEAD_DIM))
    Wr = xavier(ks[5], (NUM_TIMELINES, EMBED_DIM))
    return {"x": x, "Wq": Wq, "Wk": Wk, "Wv": Wv, "Wo": Wo, "Wr": Wr}


def reference(x, Wq, Wk, Wv, Wo, Wr):
    Bx, Nx, D = x.shape
    H, d, K = NUM_HEADS, HEAD_DIM, NUM_TIMELINES
    scale = d ** (-0.5)

    # routing
    logits = x @ Wr.T                                   # (B, N, K)
    probs = jax.nn.softmax(logits, axis=-1)
    choice = jnp.argmax(logits, axis=-1)                # (B, N)
    capacity = min(int(math.ceil(Nx / K * CAPACITY_FACTOR)), Nx)
    onehot = jax.nn.one_hot(choice, K, dtype=jnp.float32).transpose(0, 2, 1)  # (B, K, N)
    probs_t = probs.transpose(0, 2, 1)
    scores = jnp.where(onehot > 0.5, probs_t, -1e9)
    topk_scores, topk_idx = jax.lax.top_k(scores, capacity)  # (B, K, cap)
    tl_mask = (topk_scores > -1e8).astype(x.dtype)
    routing_w = jnp.clip(topk_scores, 0.0, None)
    f = onehot.mean(axis=-1)
    p = probs.mean(axis=1)
    aux_loss = jnp.clip(K * (f * p).sum(axis=-1).mean(), 0.0, 10.0)

    # projections
    q = (x @ Wq.T).reshape(Bx, Nx, H, d).transpose(0, 2, 1, 3)
    k = (x @ Wk.T).reshape(Bx, Nx, H, d).transpose(0, 2, 1, 3)
    v = (x @ Wv.T).reshape(Bx, Nx, H, d).transpose(0, 2, 1, 3)

    out = jnp.zeros((Bx, H, Nx, d), x.dtype)
    counts = jnp.zeros((Bx, 1, Nx, 1), x.dtype)
    positions = jnp.arange(capacity)
    causal = jnp.tril(jnp.ones((capacity, capacity), bool))

    def scat(ob, cb, idx_b, ot_b, m_b):
        ob = ob.at[:, idx_b, :].add(ot_b)
        cb = cb.at[:, idx_b, :].add(m_b[None, :, None])
        return ob, cb

    for k_idx in range(K):
        idx = topk_idx[:, k_idx]                        # (B, cap)
        m = tl_mask[:, k_idx]                           # (B, cap)
        w = routing_w[:, k_idx]
        idx_e = jnp.broadcast_to(idx[:, None, :, None], (Bx, H, capacity, d))
        q_t = jnp.take_along_axis(q, idx_e, axis=2)
        k_t = jnp.take_along_axis(k, idx_e, axis=2)
        v_t = jnp.take_along_axis(v, idx_e, axis=2)
        q_t = _apply_rope(q_t, positions)
        k_t = _apply_rope(k_t, positions)
        attn = jnp.einsum('bhqd,bhkd->bhqk', q_t, k_t) * scale
        valid = causal[None, None, :, :] & (m[:, None, None, :] > 0.5)
        attn = jnp.where(valid, attn, -1e9)
        attn = jax.nn.softmax(attn, axis=-1)
        o_t = jnp.einsum('bhqk,bhkd->bhqd', attn, v_t)
        o_t = o_t * (w * m)[:, None, :, None]
        out, counts = jax.vmap(scat)(out, counts, idx, o_t, m)

    out = out / jnp.maximum(counts, 1.0)
    out = out.transpose(0, 2, 1, 3).reshape(Bx, Nx, H * d)
    out = out @ Wo.T
    return out, aux_loss

if __name__ == "__main__":
    import jax
    _d = setup_inputs()
    print(jax.jit(kernel)(*tuple(_d.values())))

</pallas_src>

<mosaic_0001>
#map = affine_map<(d0, d1) -> (0, 0)>
#map1 = affine_map<(d0, d1) -> (0)>
module attributes {stable_mosaic.version = 14 : i64} {
  func.func @gat(%arg0: i32, %arg1: i32, %arg2: memref<8192x1024xf32, #tpu.memory_space<hbm>>, %arg3: memref<8192xi32, #tpu.memory_space<hbm>>, %arg4: memref<8192x1024xf32, #tpu.memory_space<hbm>>, %arg5: memref<32xi32, #tpu.memory_space<vmem>>, %arg6: memref<32x1024xf32, #tpu.memory_space<vmem>>, %arg7: memref<!tpu.dma_semaphore, #tpu.memory_space<semaphore_mem>>) attributes {dimension_semantics = [#tpu.dimension_semantics<core_parallel>, #tpu.dimension_semantics<subcore_parallel>], iteration_bounds = array<i64: 2, 16>, scalar_prefetch = 0 : i64, scratch_operands = 3 : i64, tpu.core_type = #tpu.core_type<sc_vector_subcore>, window_params = [{transform_indices = #map}, {transform_indices = #map1}, {transform_indices = #map}]} {
    %mul3A = arith.constant 2 : i32
    %mul3A_0 = arith.muli %arg1, %mul3A : i32
    %add3A = arith.addi %mul3A_0, %arg0 : i32
    %mul3A_1 = arith.constant 256 : i32
    %mul3A_2 = arith.muli %add3A, %mul3A_1 : i32
    %scan3A = arith.constant 0 : i32
    %scan3A_3 = arith.constant 8 : i32
    %scan3A_4 = arith.addi %scan3A, %scan3A_3 : i32
    %scan3A_5 = arith.constant 1 : i32
    scf.for %scan3A_7 = %scan3A to %scan3A_4 step %scan3A_5  : i32 {
      %mul3A_8 = arith.constant 32 : i32
      %mul3A_9 = arith.muli %scan3A_7, %mul3A_8 : i32
      %add3A_10 = arith.constant 0 : i32
      %add3A_11 = arith.addi %add3A_10, %mul3A_9 : i32
      %add3A_12 = arith.addi %mul3A_2, %add3A_11 : i32
      "tpu.region"() ({
        %run_scoped3A = tpu.sem_alloc : memref<!tpu.dma_semaphore, #tpu.memory_space<semaphore_mem>>
        %dma_start3A_18 = tpu.memref_slice %arg3[%add3A_12] : memref<8192xi32, #tpu.memory_space<hbm>> -> memref<32xi32, #tpu.memory_space<hbm>>
        %dma_start3A_19 = tpu.memref_slice %arg3[%add3A_12] : memref<8192xi32, #tpu.memory_space<hbm>> -> memref<32xi32, #tpu.memory_space<hbm>>
        tpu.enqueue_dma source(%dma_start3A_19 : memref<32xi32, #tpu.memory_space<hbm>>) target(%arg5 : memref<32xi32, #tpu.memory_space<vmem>>) target_semaphore(%run_scoped3A : memref<!tpu.dma_semaphore, #tpu.memory_space<semaphore_mem>>)
        %dma_wait3A_20 = tpu.memref_slice %arg3[%add3A_12] : memref<8192xi32, #tpu.memory_space<hbm>> -> memref<32xi32, #tpu.memory_space<hbm>>
        %dma_wait3A_21 = tpu.memref_slice %arg3[%add3A_12] : memref<8192xi32, #tpu.memory_space<hbm>> -> memref<32xi32, #tpu.memory_space<hbm>>
        tpu.wait_dma2 semaphore(%run_scoped3A : memref<!tpu.dma_semaphore, #tpu.memory_space<semaphore_mem>>) src(%dma_wait3A_21 : memref<32xi32, #tpu.memory_space<hbm>>) dst(%arg5 : memref<32xi32, #tpu.memory_space<vmem>>)
        tpu.yield
      }) : () -> ()
      %dma_start3A = arith.constant 0 : i32
      %dma_start3A_13 = arith.constant 0 : i32
      %dma_start3A_14 = tpu.memref_slice %arg2[%dma_start3A, %dma_start3A_13] : memref<8192x1024xf32, #tpu.memory_space<hbm>> -> memref<8192x1024xf32, #tpu.memory_space<hbm>>
      tpu.enqueue_indirect_dma source(%dma_start3A_14 : memref<8192x1024xf32, #tpu.memory_space<hbm>>) target(%arg6 : memref<32x1024xf32, #tpu.memory_space<vmem>>) offsets(%arg5 : memref<32xi32, #tpu.memory_space<vmem>>) semaphore(%arg7 : memref<!tpu.dma_semaphore, #tpu.memory_space<semaphore_mem>>)
      %dma_wait3A = arith.constant 0 : i32
      %dma_wait3A_15 = arith.constant 0 : i32
      %dma_wait3A_16 = tpu.memref_slice %arg2[%dma_wait3A, %dma_wait3A_15] : memref<8192x1024xf32, #tpu.memory_space<hbm>> -> memref<8192x1024xf32, #tpu.memory_space<hbm>>
      tpu.wait_indirect_dma semaphore(%arg7 : memref<!tpu.dma_semaphore, #tpu.memory_space<semaphore_mem>>) src(%dma_wait3A_16 : memref<8192x1024xf32, #tpu.memory_space<hbm>>) dst(%arg6 : memref<32x1024xf32, #tpu.memory_space<vmem>>)
      %add3A_17 = arith.addi %mul3A_2, %add3A_11 : i32
      "tpu.region"() ({
        %run_scoped3A = tpu.sem_alloc : memref<!tpu.dma_semaphore, #tpu.memory_space<semaphore_mem>>
        %dma_start3A_18 = arith.constant 0 : i32
        %dma_start3A_19 = tpu.memref_slice %arg4[%add3A_17, %dma_start3A_18] : memref<8192x1024xf32, #tpu.memory_space<hbm>> -> memref<32x1024xf32, #tpu.memory_space<hbm>>
        %dma_start3A_20 = arith.constant 0 : i32
        %dma_start3A_21 = tpu.memref_slice %arg4[%add3A_17, %dma_start3A_20] : memref<8192x1024xf32, #tpu.memory_space<hbm>> -> memref<32x1024xf32, #tpu.memory_space<hbm>>
        tpu.enqueue_dma source(%arg6 : memref<32x1024xf32, #tpu.memory_space<vmem>>) target(%dma_start3A_21 : memref<32x1024xf32, #tpu.memory_space<hbm>>) target_semaphore(%run_scoped3A : memref<!tpu.dma_semaphore, #tpu.memory_space<semaphore_mem>>)
        %dma_wait3A_22 = arith.constant 0 : i32
        %dma_wait3A_23 = tpu.memref_slice %arg4[%add3A_17, %dma_wait3A_22] : memref<8192x1024xf32, #tpu.memory_space<hbm>> -> memref<32x1024xf32, #tpu.memory_space<hbm>>
        %dma_wait3A_24 = arith.constant 0 : i32
        %dma_wait3A_25 = tpu.memref_slice %arg4[%add3A_17, %dma_wait3A_24] : memref<8192x1024xf32, #tpu.memory_space<hbm>> -> memref<32x1024xf32, #tpu.memory_space<hbm>>
        tpu.wait_dma2 semaphore(%run_scoped3A : memref<!tpu.dma_semaphore, #tpu.memory_space<semaphore_mem>>) src(%arg6 : memref<32x1024xf32, #tpu.memory_space<vmem>>) dst(%dma_wait3A_25 : memref<32x1024xf32, #tpu.memory_space<hbm>>)
        tpu.yield
      }) : () -> ()
    }
    %scan3A_6 = arith.constant 8 : i32
    return
  }
}

#map = affine_map<(d0, d1) -> (0, 0)>
#map1 = affine_map<(d0, d1) -> (0)>
module attributes {stable_mosaic.version = 14 : i64} {
  func.func @scat(%arg0: i32, %arg1: i32, %arg2: memref<8192x1024xf32, #tpu.memory_space<hbm>>, %arg3: memref<8192xi32, #tpu.memory_space<hbm>>, %arg4: memref<9216x1024xf32, #tpu.memory_space<hbm>>, %arg5: memref<32xi32, #tpu.memory_space<vmem>>, %arg6: memref<32x1024xf32, #tpu.memory_space<vmem>>, %arg7: memref<!tpu.dma_semaphore, #tpu.memory_space<semaphore_mem>>) attributes {dimension_semantics = [#tpu.dimension_semantics<core_parallel>, #tpu.dimension_semantics<subcore_parallel>], iteration_bounds = array<i64: 2, 16>, scalar_prefetch = 0 : i64, scratch_operands = 3 : i64, tpu.core_type = #tpu.core_type<sc_vector_subcore>, window_params = [{transform_indices = #map}, {transform_indices = #map1}, {transform_indices = #map}]} {
    %mul3A = arith.constant 2 : i32
    %mul3A_0 = arith.muli %arg1, %mul3A : i32
    %add3A = arith.addi %mul3A_0, %arg0 : i32
    %mul3A_1 = arith.constant 256 : i32
    %mul3A_2 = arith.muli %add3A, %mul3A_1 : i32
    %scan3A = arith.constant 0 : i32
    %scan3A_3 = arith.constant 8 : i32
    %scan3A_4 = arith.addi %scan3A, %scan3A_3 : i32
    %scan3A_5 = arith.constant 1 : i32
    scf.for %scan3A_7 = %scan3A to %scan3A_4 step %scan3A_5  : i32 {
      %mul3A_8 = arith.constant 32 : i32
      %mul3A_9 = arith.muli %scan3A_7, %mul3A_8 : i32
      %add3A_10 = arith.constant 0 : i32
      %add3A_11 = arith.addi %add3A_10, %mul3A_9 : i32
      %add3A_12 = arith.addi %mul3A_2, %add3A_11 : i32
      "tpu.region"() ({
        %run_scoped3A = tpu.sem_alloc : memref<!tpu.dma_semaphore, #tpu.memory_space<semaphore_mem>>
        %dma_start3A_18 = tpu.memref_slice %arg3[%add3A_12] : memref<8192xi32, #tpu.memory_space<hbm>> -> memref<32xi32, #tpu.memory_space<hbm>>
        %dma_start3A_19 = tpu.memref_slice %arg3[%add3A_12] : memref<8192xi32, #tpu.memory_space<hbm>> -> memref<32xi32, #tpu.memory_space<hbm>>
        tpu.enqueue_dma source(%dma_start3A_19 : memref<32xi32, #tpu.memory_space<hbm>>) target(%arg5 : memref<32xi32, #tpu.memory_space<vmem>>) target_semaphore(%run_scoped3A : memref<!tpu.dma_semaphore, #tpu.memory_space<semaphore_mem>>)
        %dma_wait3A_20 = tpu.memref_slice %arg3[%add3A_12] : memref<8192xi32, #tpu.memory_space<hbm>> -> memref<32xi32, #tpu.memory_space<hbm>>
        %dma_wait3A_21 = tpu.memref_slice %arg3[%add3A_12] : memref<8192xi32, #tpu.memory_space<hbm>> -> memref<32xi32, #tpu.memory_space<hbm>>
        tpu.wait_dma2 semaphore(%run_scoped3A : memref<!tpu.dma_semaphore, #tpu.memory_space<semaphore_mem>>) src(%dma_wait3A_21 : memref<32xi32, #tpu.memory_space<hbm>>) dst(%arg5 : memref<32xi32, #tpu.memory_space<vmem>>)
        tpu.yield
      }) : () -> ()
      %add3A_13 = arith.addi %mul3A_2, %add3A_11 : i32
      "tpu.region"() ({
        %run_scoped3A = tpu.sem_alloc : memref<!tpu.dma_semaphore, #tpu.memory_space<semaphore_mem>>
        %dma_start3A_18 = arith.constant 0 : i32
        %dma_start3A_19 = tpu.memref_slice %arg2[%add3A_13, %dma_start3A_18] : memref<8192x1024xf32, #tpu.memory_space<hbm>> -> memref<32x1024xf32, #tpu.memory_space<hbm>>
        %dma_start3A_20 = arith.constant 0 : i32
        %dma_start3A_21 = tpu.memref_slice %arg2[%add3A_13, %dma_start3A_20] : memref<8192x1024xf32, #tpu.memory_space<hbm>> -> memref<32x1024xf32, #tpu.memory_space<hbm>>
        tpu.enqueue_dma source(%dma_start3A_21 : memref<32x1024xf32, #tpu.memory_space<hbm>>) target(%arg6 : memref<32x1024xf32, #tpu.memory_space<vmem>>) target_semaphore(%run_scoped3A : memref<!tpu.dma_semaphore, #tpu.memory_space<semaphore_mem>>)
        %dma_wait3A_22 = arith.constant 0 : i32
        %dma_wait3A_23 = tpu.memref_slice %arg2[%add3A_13, %dma_wait3A_22] : memref<8192x1024xf32, #tpu.memory_space<hbm>> -> memref<32x1024xf32, #tpu.memory_space<hbm>>
        %dma_wait3A_24 = arith.constant 0 : i32
        %dma_wait3A_25 = tpu.memref_slice %arg2[%add3A_13, %dma_wait3A_24] : memref<8192x1024xf32, #tpu.memory_space<hbm>> -> memref<32x1024xf32, #tpu.memory_space<hbm>>
        tpu.wait_dma2 semaphore(%run_scoped3A : memref<!tpu.dma_semaphore, #tpu.memory_space<semaphore_mem>>) src(%dma_wait3A_25 : memref<32x1024xf32, #tpu.memory_space<hbm>>) dst(%arg6 : memref<32x1024xf32, #tpu.memory_space<vmem>>)
        tpu.yield
      }) : () -> ()
      %dma_start3A = arith.constant 0 : i32
      %dma_start3A_14 = arith.constant 0 : i32
      %dma_start3A_15 = tpu.memref_slice %arg4[%dma_start3A, %dma_start3A_14] : memref<9216x1024xf32, #tpu.memory_space<hbm>> -> memref<9216x1024xf32, #tpu.memory_space<hbm>>
      tpu.enqueue_indirect_dma source(%arg6 : memref<32x1024xf32, #tpu.memory_space<vmem>>) target(%dma_start3A_15 : memref<9216x1024xf32, #tpu.memory_space<hbm>>) offsets(%arg5 : memref<32xi32, #tpu.memory_space<vmem>>) semaphore(%arg7 : memref<!tpu.dma_semaphore, #tpu.memory_space<semaphore_mem>>)
      %dma_wait3A = arith.constant 0 : i32
      %dma_wait3A_16 = arith.constant 0 : i32
      %dma_wait3A_17 = tpu.memref_slice %arg4[%dma_wait3A, %dma_wait3A_16] : memref<9216x1024xf32, #tpu.memory_space<hbm>> -> memref<9216x1024xf32, #tpu.memory_space<hbm>>
      tpu.wait_indirect_dma semaphore(%arg7 : memref<!tpu.dma_semaphore, #tpu.memory_space<semaphore_mem>>) src(%arg6 : memref<32x1024xf32, #tpu.memory_space<vmem>>) dst(%dma_wait3A_17 : memref<9216x1024xf32, #tpu.memory_space<hbm>>)
    }
    %scan3A_6 = arith.constant 8 : i32
    return
  }
}

module attributes {stable_mosaic.version = 14 : i64} {
  func.func @_route_body(%arg0: i32, %arg1: i32, %arg2: memref<1x1x1024x1024xf32, #tpu.memory_space<vmem>>, %arg3: memref<1024x4xf32, #tpu.memory_space<vmem>>, %arg4: memref<1x1x1024xf32, #tpu.memory_space<vmem>>, %arg5: memref<1x1x1024xi32, #tpu.memory_space<vmem>>, %arg6: memref<1x1x4xf32, #tpu.memory_space<vmem>>, %arg7: memref<1x1x4xf32, #tpu.memory_space<vmem>>) attributes {dimension_semantics = [#tpu.dimension_semantics<arbitrary>, #tpu.dimension_semantics<arbitrary>], iteration_bounds = array<i64: 2, 4>, scalar_prefetch = 0 : i64, scratch_operands = 0 : i64, tpu.core_type = #tpu.core_type<tc>, window_params = [{transform_indices = @transform_0, window_bounds = array<i64: 1, 1, 1024, 1024>}, {pipeline_mode = #tpu.pipeline_mode<synchronous>, transform_indices = @transform_1, window_bounds = array<i64: 1024, 4>}, {transform_indices = @transform_2, window_bounds = array<i64: 1, 1, 1024>}, {transform_indices = @transform_3, window_bounds = array<i64: 1, 1, 1024>}, {transform_indices = @transform_4, window_bounds = array<i64: 1, 1, 4>}, {transform_indices = @transform_5, window_bounds = array<i64: 1, 1, 4>}]} {
    %get3A = arith.constant 0 : index
    %get3A_0 = arith.constant 0 : index
    %get3A_1 = arith.constant 0 : index
    %get3A_2 = arith.constant 0 : index
    %get3A_3 = vector.load %arg2[%get3A, %get3A_0, %get3A_1, %get3A_2] : memref<1x1x1024x1024xf32, #tpu.memory_space<vmem>>, vector<1x1x1024x1024xf32>
    %get3A_4 = vector.shape_cast %get3A_3 : vector<1x1x1024x1024xf32> to vector<1024x1024xf32>
    %get3A_5 = arith.constant 0 : index
    %get3A_6 = arith.constant 0 : index
    %get3A_7 = vector.load %arg3[%get3A_5, %get3A_6] : memref<1024x4xf32, #tpu.memory_space<vmem>>, vector<1024x4xf32>
    %dot_general3A = arith.constant dense<0.000000e+00> : vector<1024x4xf32>
    %dot_general3A_8 = tpu.matmul %get3A_4, %get3A_7, %dot_general3A {dimension_numbers = #tpu.dot_dimension_numbers<[1], [0], [0], [1], [0, 0, 1, 1], [], []>, transpose_lhs_hint = false} : vector<1024x1024xf32>, vector<1024x4xf32>, vector<1024x4xf32> -> vector<1024x4xf32>
    %reduce_max3A = arith.constant dense<0xFF800000> : vector<1024xf32>
    %reduce_max3A_9 = vector.multi_reduction <maximumf>, %dot_general3A_8, %reduce_max3A [1] : vector<1024x4xf32> to vector<1024xf32>
    %broadcast_in_dim3A = vector.shape_cast %reduce_max3A_9 : vector<1024xf32> to vector<1024x1xf32>
    %sub3A = vector.broadcast %broadcast_in_dim3A : vector<1024x1xf32> to vector<1024x4xf32>
    %sub3A_10 = arith.subf %dot_general3A_8, %sub3A : vector<1024x4xf32>
    %exp3A = math.exp %sub3A_10 : vector<1024x4xf32>
    %reduce_sum3A = arith.constant dense<0.000000e+00> : vector<1024xf32>
    %reduce_sum3A_11 = vector.multi_reduction <add>, %exp3A, %reduce_sum3A [1] : vector<1024x4xf32> to vector<1024xf32>
    %broadcast_in_dim3A_12 = vector.shape_cast %reduce_sum3A_11 : vector<1024xf32> to vector<1024x1xf32>
    %div3A = vector.broadcast %broadcast_in_dim3A_12 : vector<1024x1xf32> to vector<1024x4xf32>
    %div3A_13 = arith.divf %exp3A, %div3A : vector<1024x4xf32>
    %iota3A = tpu.iota {dimensions = array<i32: 1>} : vector<1024x4xi32>
    %eq3A = vector.broadcast %broadcast_in_dim3A : vector<1024x1xf32> to vector<1024x4xf32>
    %eq3A_14 = arith.cmpf oeq, %dot_general3A_8, %eq3A : vector<1024x4xf32>
    %jit3A = arith.constant 4 : i32
    %broadcast_in_dim3A_15 = vector.broadcast %jit3A : i32 to vector<1024x4xi32>
    %select_n3A = arith.select %eq3A_14, %iota3A, %broadcast_in_dim3A_15 : vector<1024x4xi1>, vector<1024x4xi32>
    %reduce_min3A = arith.constant dense<2147483647> : vector<1024xi32>
    %reduce_min3A_16 = vector.multi_reduction <minsi>, %select_n3A, %reduce_min3A [1] : vector<1024x4xi32> to vector<1024xi32>
    %reduce_max3A_17 = arith.constant dense<0xFF800000> : vector<1024xf32>
    %reduce_max3A_18 = vector.multi_reduction <maximumf>, %div3A_13, %reduce_max3A_17 [1] : vector<1024x4xf32> to vector<1024xf32>
    %broadcast_in_dim3A_19 = vector.shape_cast %reduce_min3A_16 : vector<1024xi32> to vector<1024x1xi32>
    %eq3A_20 = vector.broadcast %broadcast_in_dim3A_19 : vector<1024x1xi32> to vector<1024x4xi32>
    %eq3A_21 = arith.cmpi eq, %iota3A, %eq3A_20 : vector<1024x4xi32>
    %convert_element_type3A = arith.extui %eq3A_21 : vector<1024x4xi1> to vector<1024x4xi32>
    %convert_element_type3A_22 = arith.sitofp %convert_element_type3A : vector<1024x4xi32> to vector<1024x4xf32>
    %reshape3A = vector.shape_cast %reduce_max3A_18 : vector<1024xf32> to vector<1x1x1024xf32>
    %swap3A = arith.constant 0 : index
    %swap3A_23 = arith.constant 0 : index
    %swap3A_24 = arith.constant 0 : index
    %swap3A_25 = vector.load %arg4[%swap3A, %swap3A_23, %swap3A_24] : memref<1x1x1024xf32, #tpu.memory_space<vmem>>, vector<1x1x1024xf32>
    tpu.vector_store %arg4[%swap3A, %swap3A_23, %swap3A_24], %reshape3A {strides = array<i32>} : memref<1x1x1024xf32, #tpu.memory_space<vmem>>, vector<1x1x1024xf32>,
    %reshape3A_26 = vector.shape_cast %reduce_min3A_16 : vector<1024xi32> to vector<1x1x1024xi32>
    %swap3A_27 = arith.constant 0 : index
    %swap3A_28 = arith.constant 0 : index
    %swap3A_29 = arith.constant 0 : index
    %swap3A_30 = vector.load %arg5[%swap3A_27, %swap3A_28, %swap3A_29] : memref<1x1x1024xi32, #tpu.memory_space<vmem>>, vector<1x1x1024xi32>
    tpu.vector_store %arg5[%swap3A_27, %swap3A_28, %swap3A_29], %reshape3A_26 {strides = array<i32>} : memref<1x1x1024xi32, #tpu.memory_space<vmem>>, vector<1x1x1024xi32>,
    %eq3A_31 = arith.constant 0 : i32
    %eq3A_32 = arith.cmpi eq, %arg1, %eq3A_31 : i32
    %convert_element_type3A_33 = arith.extui %eq3A_32 : i1 to i32
    %cond3A = arith.constant 0 : i32
    %cond3A_34 = arith.cmpi ne, %convert_element_type3A_33, %cond3A : i32
    scf.if %cond3A_34 {
      %broadcast_in_dim3A_58 = arith.constant 0.000000e+00 : f32
      %broadcast_in_dim3A_59 = vector.broadcast %broadcast_in_dim3A_58 : f32 to vector<1x1x4xf32>
      %swap3A_60 = arith.constant 0 : index
      %swap3A_61 = arith.constant 0 : index
      %swap3A_62 = arith.constant 0 : index
      %swap3A_63 = vector.load %arg6[%swap3A_60, %swap3A_61, %swap3A_62] : memref<1x1x4xf32, #tpu.memory_space<vmem>>, vector<1x1x4xf32>
      tpu.vector_store %arg6[%swap3A_60, %swap3A_61, %swap3A_62], %broadcast_in_dim3A_59 {strides = array<i32>} : memref<1x1x4xf32, #tpu.memory_space<vmem>>, vector<1x1x4xf32>,
      %broadcast_in_dim3A_64 = arith.constant 0.000000e+00 : f32
      %broadcast_in_dim3A_65 = vector.broadcast %broadcast_in_dim3A_64 : f32 to vector<1x1x4xf32>
      %swap3A_66 = arith.constant 0 : index
      %swap3A_67 = arith.constant 0 : index
      %swap3A_68 = arith.constant 0 : index
      %swap3A_69 = vector.load %arg7[%swap3A_66, %swap3A_67, %swap3A_68] : memref<1x1x4xf32, #tpu.memory_space<vmem>>, vector<1x1x4xf32>
      tpu.vector_store %arg7[%swap3A_66, %swap3A_67, %swap3A_68], %broadcast_in_dim3A_65 {strides = array<i32>} : memref<1x1x4xf32, #tpu.memory_space<vmem>>, vector<1x1x4xf32>,
    } else {
    }
    %get3A_35 = arith.constant 0 : index
    %get3A_36 = arith.constant 0 : index
    %get3A_37 = arith.constant 0 : index
    %get3A_38 = vector.load %arg6[%get3A_35, %get3A_36, %get3A_37] : memref<1x1x4xf32, #tpu.memory_space<vmem>>, vector<1x1x4xf32>
    %reduce_sum3A_39 = arith.constant dense<0.000000e+00> : vector<4xf32>
    %reduce_sum3A_40 = vector.multi_reduction <add>, %convert_element_type3A_22, %reduce_sum3A_39 [0] : vector<1024x4xf32> to vector<4xf32>
    %reshape3A_41 = vector.shape_cast %reduce_sum3A_40 : vector<4xf32> to vector<1x1x4xf32>
    %add3A = arith.addf %get3A_38, %reshape3A_41 : vector<1x1x4xf32>
    %swap3A_42 = arith.constant 0 : index
    %swap3A_43 = arith.constant 0 : index
    %swap3A_44 = arith.constant 0 : index
    %swap3A_45 = vector.load %arg6[%swap3A_42, %swap3A_43, %swap3A_44] : memref<1x1x4xf32, #tpu.memory_space<vmem>>, vector<1x1x4xf32>
    tpu.vector_store %arg6[%swap3A_42, %swap3A_43, %swap3A_44], %add3A {strides = array<i32>} : memref<1x1x4xf32, #tpu.memory_space<vmem>>, vector<1x1x4xf32>,
    %get3A_46 = arith.constant 0 : index
    %get3A_47 = arith.constant 0 : index
    %get3A_48 = arith.constant 0 : index
    %get3A_49 = vector.load %arg7[%get3A_46, %get3A_47, %get3A_48] : memref<1x1x4xf32, #tpu.memory_space<vmem>>, vector<1x1x4xf32>
    %reduce_sum3A_50 = arith.constant dense<0.000000e+00> : vector<4xf32>
    %reduce_sum3A_51 = vector.multi_reduction <add>, %div3A_13, %reduce_sum3A_50 [0] : vector<1024x4xf32> to vector<4xf32>
    %reshape3A_52 = vector.shape_cast %reduce_sum3A_51 : vector<4xf32> to vector<1x1x4xf32>
    %add3A_53 = arith.addf %get3A_49, %reshape3A_52 : vector<1x1x4xf32>
    %swap3A_54 = arith.constant 0 : index
    %swap3A_55 = arith.constant 0 : index
    %swap3A_56 = arith.constant 0 : index
    %swap3A_57 = vector.load %arg7[%swap3A_54, %swap3A_55, %swap3A_56] : memref<1x1x4xf32, #tpu.memory_space<vmem>>, vector<1x1x4xf32>
    tpu.vector_store %arg7[%swap3A_54, %swap3A_55, %swap3A_56], %add3A_53 {strides = array<i32>} : memref<1x1x4xf32, #tpu.memory_space<vmem>>, vector<1x1x4xf32>,
    return
  }
  func.func @transform_0(%arg0: i32, %arg1: i32) -> (i32, i32, i32, i32) {
    %c0_i32 = arith.constant 0 : i32
    %c0_i32_0 = arith.constant 0 : i32
    %c0_i32_1 = arith.constant 0 : i32
    return %arg0, %arg1, %c0_i32, %c0_i32_0 : i32, i32, i32, i32
  }
  func.func @transform_1(%arg0: i32, %arg1: i32) -> (i32, i32) {
    %c0_i32 = arith.constant 0 : i32
    %c0_i32_0 = arith.constant 0 : i32
    %c0_i32_1 = arith.constant 0 : i32
    return %c0_i32, %c0_i32_0 : i32, i32
  }
  func.func @transform_2(%arg0: i32, %arg1: i32) -> (i32, i32, i32) {
    %mul3A = arith.constant 4 : i32
    %mul3A_0 = arith.muli %arg0, %mul3A : i32
    %add3A = arith.addi %mul3A_0, %arg1 : i32
    %c0_i32 = arith.constant 0 : i32
    %c0_i32_1 = arith.constant 0 : i32
    %c0_i32_2 = arith.constant 0 : i32
    return %add3A, %c0_i32, %c0_i32_1 : i32, i32, i32
  }
  func.func @transform_3(%arg0: i32, %arg1: i32) -> (i32, i32, i32) {
    %mul3A = arith.constant 4 : i32
    %mul3A_0 = arith.muli %arg0, %mul3A : i32
    %add3A = arith.addi %mul3A_0, %arg1 : i32
    %c0_i32 = arith.constant 0 : i32
    %c0_i32_1 = arith.constant 0 : i32
    %c0_i32_2 = arith.constant 0 : i32
    return %add3A, %c0_i32, %c0_i32_1 : i32, i32, i32
  }
  func.func @transform_4(%arg0: i32, %arg1: i32) -> (i32, i32, i32) {
    %c0_i32 = arith.constant 0 : i32
    %c0_i32_0 = arith.constant 0 : i32
    %c0_i32_1 = arith.constant 0 : i32
    return %arg0, %c0_i32, %c0_i32_0 : i32, i32, i32
  }
  func.func @transform_5(%arg0: i32, %arg1: i32) -> (i32, i32, i32) {
    %c0_i32 = arith.constant 0 : i32
    %c0_i32_0 = arith.constant 0 : i32
    %c0_i32_1 = arith.constant 0 : i32
    return %arg0, %c0_i32, %c0_i32_0 : i32, i32, i32
  }
}

module attributes {stable_mosaic.version = 14 : i64} {
  func.func @_rank_body(%arg0: i32, %arg1: i32, %arg2: memref<1x1x1024x1xf32, #tpu.memory_space<vmem>>, %arg3: memref<1x1x1024x1xi32, #tpu.memory_space<vmem>>, %arg4: memref<1x1x1x4096xf32, #tpu.memory_space<vmem>>, %arg5: memref<1x1x1x4096xi32, #tpu.memory_space<vmem>>, %arg6: memref<1x1x4xf32, #tpu.memory_space<vmem>>, %arg7: memref<1x1x4xf32, #tpu.memory_space<vmem>>, %arg8: memref<1x1x1024xi32, #tpu.memory_space<vmem>>, %arg9: memref<1x1x1024xi32, #tpu.memory_space<vmem>>, %arg10: memref<1x1x1024xf32, #tpu.memory_space<vmem>>, %arg11: memref<1x1xf32, #tpu.memory_space<vmem>>) attributes {dimension_semantics = [#tpu.dimension_semantics<arbitrary>, #tpu.dimension_semantics<arbitrary>], iteration_bounds = array<i64: 2, 4>, scalar_prefetch = 0 : i64, scratch_operands = 0 : i64, tpu.core_type = #tpu.core_type<tc>, window_params = [{transform_indices = @transform_0, window_bounds = array<i64: 1, 1, 1024, 1>}, {transform_indices = @transform_1, window_bounds = array<i64: 1, 1, 1024, 1>}, {transform_indices = @transform_2, window_bounds = array<i64: 1, 1, 1, 4096>}, {transform_indices = @transform_3, window_bounds = array<i64: 1, 1, 1, 4096>}, {transform_indices = @transform_4, window_bounds = array<i64: 1, 1, 4>}, {transform_indices = @transform_5, window_bounds = array<i64: 1, 1, 4>}, {transform_indices = @transform_6, window_bounds = array<i64: 1, 1, 1024>}, {transform_indices = @transform_7, window_bounds = array<i64: 1, 1, 1024>}, {transform_indices = @transform_8, window_bounds = array<i64: 1, 1, 1024>}, {pipeline_mode = #tpu.pipeline_mode<synchronous>, transform_indices = @transform_9, window_bounds = array<i64: 1, 1>}]} {
    %get3A = arith.constant 0 : index
    %get3A_0 = arith.constant 0 : index
    %get3A_1 = arith.constant 0 : index
    %get3A_2 = arith.constant 0 : index
    %get3A_3 = vector.load %arg2[%get3A, %get3A_0, %get3A_1, %get3A_2] : memref<1x1x1024x1xf32, #tpu.memory_space<vmem>>, vector<1x1x1024x1xf32>
    %get3A_4 = vector.shape_cast %get3A_3 : vector<1x1x1024x1xf32> to vector<1024x1xf32>
    %get3A_5 = arith.constant 0 : index
    %get3A_6 = arith.constant 0 : index
    %get3A_7 = arith.constant 0 : index
    %get3A_8 = arith.constant 0 : index
    %get3A_9 = vector.load %arg3[%get3A_5, %get3A_6, %get3A_7, %get3A_8] : memref<1x1x1024x1xi32, #tpu.memory_space<vmem>>, vector<1x1x1024x1xi32>
    %get3A_10 = vector.shape_cast %get3A_9 : vector<1x1x1024x1xi32> to vector<1024x1xi32>
    %get3A_11 = arith.constant 0 : index
    %get3A_12 = arith.constant 0 : index
    %get3A_13 = arith.constant 0 : index
    %get3A_14 = arith.constant 0 : index
    %get3A_15 = vector.load %arg4[%get3A_11, %get3A_12, %get3A_13, %get3A_14] : memref<1x1x1x4096xf32, #tpu.memory_space<vmem>>, vector<1x1x1x4096xf32>
    %get3A_16 = vector.shape_cast %get3A_15 : vector<1x1x1x4096xf32> to vector<1x4096xf32>
    %get3A_17 = arith.constant 0 : index
    %get3A_18 = arith.constant 0 : index
    %get3A_19 = arith.constant 0 : index
    %get3A_20 = arith.constant 0 : index
    %get3A_21 = vector.load %arg5[%get3A_17, %get3A_18, %get3A_19, %get3A_20] : memref<1x1x1x4096xi32, #tpu.memory_space<vmem>>, vector<1x1x1x4096xi32>
    %get3A_22 = vector.shape_cast %get3A_21 : vector<1x1x1x4096xi32> to vector<1x4096xi32>
    %eq3A = vector.broadcast %get3A_10 : vector<1024x1xi32> to vector<1024x4096xi32>
    %eq3A_23 = vector.broadcast %get3A_22 : vector<1x4096xi32> to vector<1024x4096xi32>
    %eq3A_24 = arith.cmpi eq, %eq3A, %eq3A_23 : vector<1024x4096xi32>
    %iota3A = tpu.iota {dimensions = array<i32: 1>} : vector<1024x4096xi32>
    %iota3A_25 = tpu.iota {dimensions = array<i32: 0>} : vector<1024x4096xi32>
    %mul3A = arith.constant 1024 : i32
    %mul3A_26 = arith.muli %arg1, %mul3A : i32
    %add3A = vector.broadcast %mul3A_26 : i32 to vector<1024x4096xi32>
    %add3A_27 = arith.addi %iota3A_25, %add3A : vector<1024x4096xi32>
    %gt3A = vector.broadcast %get3A_16 : vector<1x4096xf32> to vector<1024x4096xf32>
    %gt3A_28 = vector.broadcast %get3A_4 : vector<1024x1xf32> to vector<1024x4096xf32>
    %gt3A_29 = arith.cmpf ogt, %gt3A, %gt3A_28 : vector<1024x4096xf32>
    %eq3A_30 = vector.broadcast %get3A_16 : vector<1x4096xf32> to vector<1024x4096xf32>
    %eq3A_31 = vector.broadcast %get3A_4 : vector<1024x1xf32> to vector<1024x4096xf32>
    %eq3A_32 = arith.cmpf oeq, %eq3A_30, %eq3A_31 : vector<1024x4096xf32>
    %lt3A = arith.cmpi slt, %iota3A, %add3A_27 : vector<1024x4096xi32>
    %and3A = arith.andi %eq3A_32, %lt3A : vector<1024x4096xi1>
    %or3A = arith.ori %gt3A_29, %and3A : vector<1024x4096xi1>
    %and3A_33 = arith.andi %eq3A_24, %or3A : vector<1024x4096xi1>
    %jit3A = arith.constant 1.000000e+00 : f32
    %jit3A_34 = arith.constant 0.000000e+00 : f32
    %broadcast_in_dim3A = vector.broadcast %jit3A : f32 to vector<1024x4096xf32>
    %broadcast_in_dim3A_35 = vector.broadcast %jit3A_34 : f32 to vector<1024x4096xf32>
    %select_n3A = arith.select %and3A_33, %broadcast_in_dim3A, %broadcast_in_dim3A_35 : vector<1024x4096xi1>, vector<1024x4096xf32>
    %reduce_sum3A = arith.constant dense<0.000000e+00> : vector<1024xf32>
    %reduce_sum3A_36 = vector.multi_reduction <add>, %select_n3A, %reduce_sum3A [1] : vector<1024x4096xf32> to vector<1024xf32>
    %convert_element_type3A = arith.fptosi %reduce_sum3A_36 : vector<1024xf32> to vector<1024xi32>
    %squeeze3A = vector.shape_cast %get3A_10 : vector<1024x1xi32> to vector<1024xi32>
    %lt3A_37 = arith.constant 1024 : i32
    %lt3A_38 = vector.broadcast %lt3A_37 : i32 to vector<1024xi32>
    %lt3A_39 = arith.cmpi slt, %convert_element_type3A, %lt3A_38 : vector<1024xi32>
    %mul3A_40 = arith.constant 4096 : i32
    %mul3A_41 = arith.muli %arg0, %mul3A_40 : i32
    %mul3A_42 = arith.constant 1024 : i32
    %mul3A_43 = vector.broadcast %mul3A_42 : i32 to vector<1024xi32>
    %mul3A_44 = arith.muli %squeeze3A, %mul3A_43 : vector<1024xi32>
    %add3A_45 = vector.broadcast %mul3A_41 : i32 to vector<1024xi32>
    %add3A_46 = arith.addi %add3A_45, %mul3A_44 : vector<1024xi32>
    %add3A_47 = arith.addi %add3A_46, %convert_element_type3A : vector<1024xi32>
    %jit3A_48 = arith.constant 8192 : i32
    %broadcast_in_dim3A_49 = vector.broadcast %jit3A_48 : i32 to vector<1024xi32>
    %select_n3A_50 = arith.select %lt3A_39, %add3A_47, %broadcast_in_dim3A_49 : vector<1024xi1>, vector<1024xi32>
    %reshape3A = vector.shape_cast %select_n3A_50 : vector<1024xi32> to vector<1x1x1024xi32>
    %swap3A = arith.constant 0 : index
    %swap3A_51 = arith.constant 0 : index
    %swap3A_52 = arith.constant 0 : index
    %swap3A_53 = vector.load %arg8[%swap3A, %swap3A_51, %swap3A_52] : memref<1x1x1024xi32, #tpu.memory_space<vmem>>, vector<1x1x1024xi32>
    tpu.vector_store %arg8[%swap3A, %swap3A_51, %swap3A_52], %reshape3A {strides = array<i32>} : memref<1x1x1024xi32, #tpu.memory_space<vmem>>, vector<1x1x1024xi32>,
    %jit3A_54 = arith.constant 0 : i32
    %broadcast_in_dim3A_55 = vector.broadcast %jit3A_54 : i32 to vector<1024xi32>
    %select_n3A_56 = arith.select %lt3A_39, %add3A_47, %broadcast_in_dim3A_55 : vector<1024xi1>, vector<1024xi32>
    %reshape3A_57 = vector.shape_cast %select_n3A_56 : vector<1024xi32> to vector<1x1x1024xi32>
    %swap3A_58 = arith.constant 0 : index
    %swap3A_59 = arith.constant 0 : index
    %swap3A_60 = arith.constant 0 : index
    %swap3A_61 = vector.load %arg9[%swap3A_58, %swap3A_59, %swap3A_60] : memref<1x1x1024xi32, #tpu.memory_space<vmem>>, vector<1x1x1024xi32>
    tpu.vector_store %arg9[%swap3A_58, %swap3A_59, %swap3A_60], %reshape3A_57 {strides = array<i32>} : memref<1x1x1024xi32, #tpu.memory_space<vmem>>, vector<1x1x1024xi32>,
    %squeeze3A_62 = vector.shape_cast %get3A_4 : vector<1024x1xf32> to vector<1024xf32>
    %jit3A_63 = arith.constant 0.000000e+00 : f32
    %broadcast_in_dim3A_64 = vector.broadcast %jit3A_63 : f32 to vector<1024xf32>
    %select_n3A_65 = arith.select %lt3A_39, %squeeze3A_62, %broadcast_in_dim3A_64 : vector<1024xi1>, vector<1024xf32>
    %reshape3A_66 = vector.shape_cast %select_n3A_65 : vector<1024xf32> to vector<1x1x1024xf32>
    %swap3A_67 = arith.constant 0 : index
    %swap3A_68 = arith.constant 0 : index
    %swap3A_69 = arith.constant 0 : index
    %swap3A_70 = vector.load %arg10[%swap3A_67, %swap3A_68, %swap3A_69] : memref<1x1x1024xf32, #tpu.memory_space<vmem>>, vector<1x1x1024xf32>
    tpu.vector_store %arg10[%swap3A_67, %swap3A_68, %swap3A_69], %reshape3A_66 {strides = array<i32>} : memref<1x1x1024xf32, #tpu.memory_space<vmem>>, vector<1x1x1024xf32>,
    %eq3A_71 = arith.constant 0 : i32
    %eq3A_72 = arith.cmpi eq, %arg0, %eq3A_71 : i32
    %eq3A_73 = arith.constant 0 : i32
    %eq3A_74 = arith.cmpi eq, %arg1, %eq3A_73 : i32
    %and3A_75 = arith.andi %eq3A_72, %eq3A_74 : i1
    %convert_element_type3A_76 = arith.extui %and3A_75 : i1 to i32
    %cond3A = arith.constant 0 : i32
    %cond3A_77 = arith.cmpi ne, %convert_element_type3A_76, %cond3A : i32
    scf.if %cond3A_77 {
      %broadcast_in_dim3A_91 = arith.constant 0.000000e+00 : f32
      %broadcast_in_dim3A_92 = vector.broadcast %broadcast_in_dim3A_91 : f32 to vector<1x1xf32>
      %swap3A_93 = arith.constant 0 : index
      %swap3A_94 = arith.constant 0 : index
      %swap3A_95 = vector.load %arg11[%swap3A_93, %swap3A_94] : memref<1x1xf32, #tpu.memory_space<vmem>>, vector<1x1xf32>
      tpu.vector_store %arg11[%swap3A_93, %swap3A_94], %broadcast_in_dim3A_92 {strides = array<i32>} : memref<1x1xf32, #tpu.memory_space<vmem>>, vector<1x1xf32>,
    } else {
    }
    %eq3A_78 = arith.constant 0 : i32
    %eq3A_79 = arith.cmpi eq, %arg1, %eq3A_78 : i32
    %convert_element_type3A_80 = arith.extui %eq3A_79 : i1 to i32
    %cond3A_81 = arith.constant 0 : i32
    %cond3A_82 = arith.cmpi ne, %convert_element_type3A_80, %cond3A_81 : i32
    scf.if %cond3A_82 {
      %get3A_91 = arith.constant 0 : index
      %get3A_92 = arith.constant 0 : index
      %get3A_93 = arith.constant 0 : index
      %get3A_94 = vector.load %arg6[%get3A_91, %get3A_92, %get3A_93] : memref<1x1x4xf32, #tpu.memory_space<vmem>>, vector<1x1x4xf32>
      %get3A_95 = vector.shape_cast %get3A_94 : vector<1x1x4xf32> to vector<1x4xf32>
      %div3A = arith.constant 4.096000e+03 : f32
      %div3A_96 = vector.broadcast %div3A : f32 to vector<1x4xf32>
      %div3A_97 = arith.divf %get3A_95, %div3A_96 : vector<1x4xf32>
      %get3A_98 = arith.constant 0 : index
      %get3A_99 = arith.constant 0 : index
      %get3A_100 = arith.constant 0 : index
      %get3A_101 = vector.load %arg7[%get3A_98, %get3A_99, %get3A_100] : memref<1x1x4xf32, #tpu.memory_space<vmem>>, vector<1x1x4xf32>
      %get3A_102 = vector.shape_cast %get3A_101 : vector<1x1x4xf32> to vector<1x4xf32>
      %div3A_103 = arith.constant 4.096000e+03 : f32
      %div3A_104 = vector.broadcast %div3A_103 : f32 to vector<1x4xf32>
      %div3A_105 = arith.divf %get3A_102, %div3A_104 : vector<1x4xf32>
      %get3A_106 = arith.constant 0 : index
      %get3A_107 = arith.constant 0 : index
      %get3A_108 = vector.load %arg11[%get3A_106, %get3A_107] : memref<1x1xf32, #tpu.memory_space<vmem>>, vector<1x1xf32>
      %mul3A_109 = arith.mulf %div3A_97, %div3A_105 : vector<1x4xf32>
      %reduce_sum3A_110 = vector.shape_cast %mul3A_109 : vector<1x4xf32> to vector<1x1x4xf32>
      %reduce_sum3A_111 = arith.constant dense<0.000000e+00> : vector<1xf32>
      %reduce_sum3A_112 = vector.multi_reduction <add>, %reduce_sum3A_110, %reduce_sum3A_111 [1, 2] : vector<1x1x4xf32> to vector<1xf32>
      %reduce_sum3A_113 = vector.shape_cast %reduce_sum3A_112 : vector<1xf32> to vector<1x1x1xf32>
      %reduce_sum3A_114 = vector.extract %reduce_sum3A_113[0, 0, 0] : f32 from vector<1x1x1xf32>
      %reshape3A_115 = vector.broadcast %reduce_sum3A_114 : f32 to vector<1x1xf32>
      %mul3A_116 = arith.constant 2.000000e+00 : f32
      %mul3A_117 = vector.broadcast %mul3A_116 : f32 to vector<1x1xf32>
      %mul3A_118 = arith.mulf %mul3A_117, %reshape3A_115 : vector<1x1xf32>
      %add3A_119 = arith.addf %get3A_108, %mul3A_118 : vector<1x1xf32>
      %swap3A_120 = arith.constant 0 : index
      %swap3A_121 = arith.constant 0 : index
      %swap3A_122 = vector.load %arg11[%swap3A_120, %swap3A_121] : memref<1x1xf32, #tpu.memory_space<vmem>>, vector<1x1xf32>
      tpu.vector_store %arg11[%swap3A_120, %swap3A_121], %add3A_119 {strides = array<i32>} : memref<1x1xf32, #tpu.memory_space<vmem>>, vector<1x1xf32>,
    } else {
    }
    %eq3A_83 = arith.constant 1 : i32
    %eq3A_84 = arith.cmpi eq, %arg0, %eq3A_83 : i32
    %eq3A_85 = arith.constant 3 : i32
    %eq3A_86 = arith.cmpi eq, %arg1, %eq3A_85 : i32
    %and3A_87 = arith.andi %eq3A_84, %eq3A_86 : i1
    %convert_element_type3A_88 = arith.extui %and3A_87 : i1 to i32
    %cond3A_89 = arith.constant 0 : i32
    %cond3A_90 = arith.cmpi ne, %convert_element_type3A_88, %cond3A_89 : i32
    scf.if %cond3A_90 {
      %get3A_91 = arith.constant 0 : index
      %get3A_92 = arith.constant 0 : index
      %get3A_93 = vector.load %arg11[%get3A_91, %get3A_92] : memref<1x1xf32, #tpu.memory_space<vmem>>, vector<1x1xf32>
      %jit3A_94 = arith.constant 0.000000e+00 : f32
      %jit3A_95 = arith.constant 1.000000e+01 : f32
      %max3A = vector.broadcast %jit3A_94 : f32 to vector<1x1xf32>
      %max3A_96 = arith.maximumf %max3A, %get3A_93 : vector<1x1xf32>
      %min3A = vector.broadcast %jit3A_95 : f32 to vector<1x1xf32>
      %min3A_97 = arith.minimumf %min3A, %max3A_96 : vector<1x1xf32>
      %swap3A_98 = arith.constant 0 : index
      %swap3A_99 = arith.constant 0 : index
      %swap3A_100 = vector.load %arg11[%swap3A_98, %swap3A_99] : memref<1x1xf32, #tpu.memory_space<vmem>>, vector<1x1xf32>
      tpu.vector_store %arg11[%swap3A_98, %swap3A_99], %min3A_97 {strides = array<i32>} : memref<1x1xf32, #tpu.memory_space<vmem>>, vector<1x1xf32>,
    } else {
    }
    return
  }
  func.func @transform_0(%arg0: i32, %arg1: i32) -> (i32, i32, i32, i32) {
    %c0_i32 = arith.constant 0 : i32
    %c0_i32_0 = arith.constant 0 : i32
    %c0_i32_1 = arith.constant 0 : i32
    return %arg0, %arg1, %c0_i32, %c0_i32_0 : i32, i32, i32, i32
  }
  func.func @transform_1(%arg0: i32, %arg1: i32) -> (i32, i32, i32, i32) {
    %c0_i32 = arith.constant 0 : i32
    %c0_i32_0 = arith.constant 0 : i32
    %c0_i32_1 = arith.constant 0 : i32
    return %arg0, %arg1, %c0_i32, %c0_i32_0 : i32, i32, i32, i32
  }
  func.func @transform_2(%arg0: i32, %arg1: i32) -> (i32, i32, i32, i32) {
    %c0_i32 = arith.constant 0 : i32
    %c0_i32_0 = arith.constant 0 : i32
    %c0_i32_1 = arith.constant 0 : i32
    %c0_i32_2 = arith.constant 0 : i32
    return %arg0, %c0_i32, %c0_i32_0, %c0_i32_1 : i32, i32, i32, i32
  }
  func.func @transform_3(%arg0: i32, %arg1: i32) -> (i32, i32, i32, i32) {
    %c0_i32 = arith.constant 0 : i32
    %c0_i32_0 = arith.constant 0 : i32
    %c0_i32_1 = arith.constant 0 : i32
    %c0_i32_2 = arith.constant 0 : i32
    return %arg0, %c0_i32, %c0_i32_0, %c0_i32_1 : i32, i32, i32, i32
  }
  func.func @transform_4(%arg0: i32, %arg1: i32) -> (i32, i32, i32) {
    %c0_i32 = arith.constant 0 : i32
    %c0_i32_0 = arith.constant 0 : i32
    %c0_i32_1 = arith.constant 0 : i32
    return %arg0, %c0_i32, %c0_i32_0 : i32, i32, i32
  }
  func.func @transform_5(%arg0: i32, %arg1: i32) -> (i32, i32, i32) {
    %c0_i32 = arith.constant 0 : i32
    %c0_i32_0 = arith.constant 0 : i32
    %c0_i32_1 = arith.constant 0 : i32
    return %arg0, %c0_i32, %c0_i32_0 : i32, i32, i32
  }
  func.func @transform_6(%arg0: i32, %arg1: i32) -> (i32, i32, i32) {
    %mul3A = arith.constant 4 : i32
    %mul3A_0 = arith.muli %arg0, %mul3A : i32
    %add3A = arith.addi %mul3A_0, %arg1 : i32
    %c0_i32 = arith.constant 0 : i32
    %c0_i32_1 = arith.constant 0 : i32
    %c0_i32_2 = arith.constant 0 : i32
    return %add3A, %c0_i32, %c0_i32_1 : i32, i32, i32
  }
  func.func @transform_7(%arg0: i32, %arg1: i32) -> (i32, i32, i32) {
    %mul3A = arith.constant 4 : i32
    %mul3A_0 = arith.muli %arg0, %mul3A : i32
    %add3A = arith.addi %mul3A_0, %arg1 : i32
    %c0_i32 = arith.constant 0 : i32
    %c0_i32_1 = arith.constant 0 : i32
    %c0_i32_2 = arith.constant 0 : i32
    return %add3A, %c0_i32, %c0_i32_1 : i32, i32, i32
  }
  func.func @transform_8(%arg0: i32, %arg1: i32) -> (i32, i32, i32) {
    %mul3A = arith.constant 4 : i32
    %mul3A_0 = arith.muli %arg0, %mul3A : i32
    %add3A = arith.addi %mul3A_0, %arg1 : i32
    %c0_i32 = arith.constant 0 : i32
    %c0_i32_1 = arith.constant 0 : i32
    %c0_i32_2 = arith.constant 0 : i32
    return %add3A, %c0_i32, %c0_i32_1 : i32, i32, i32
  }
  func.func @transform_9(%arg0: i32, %arg1: i32) -> (i32, i32) {
    %c0_i32 = arith.constant 0 : i32
    %c0_i32_0 = arith.constant 0 : i32
    %c0_i32_1 = arith.constant 0 : i32
    return %c0_i32, %c0_i32_0 : i32, i32
  }
}

module attributes {stable_mosaic.version = 14 : i64} {
  func.func @_attn_body(%arg0: i32, %arg1: memref<1x1024x1024xf32, #tpu.memory_space<vmem>>, %arg2: memref<1024x1024xf32, #tpu.memory_space<vmem>>, %arg3: memref<1024x1024xf32, #tpu.memory_space<vmem>>, %arg4: memref<1024x1024xf32, #tpu.memory_space<vmem>>, %arg5: memref<1024x64xf32, #tpu.memory_space<vmem>>, %arg6: memref<1024x64xf32, #tpu.memory_space<vmem>>, %arg7: memref<1x1x1xf32, #tpu.memory_space<vmem>>, %arg8: memref<1x1024x1024xf32, #tpu.memory_space<vmem>>, %arg9: memref<8x1024x128xf32, #tpu.memory_space<vmem>>, %arg10: memref<8x1024x128xf32, #tpu.memory_space<vmem>>, %arg11: memref<8x1024x128xf32, #tpu.memory_space<vmem>>, %arg12: memref<8x1024x128xf32, #tpu.memory_space<vmem>>) attributes {dimension_semantics = [#tpu.dimension_semantics<arbitrary>], iteration_bounds = array<i64: 8>, scalar_prefetch = 0 : i64, scratch_operands = 4 : i64, tpu.core_type = #tpu.core_type<tc>, window_params = [{transform_indices = @transform_0, window_bounds = array<i64: 1, 1024, 1024>}, {pipeline_mode = #tpu.pipeline_mode<synchronous>, transform_indices = @transform_1, window_bounds = array<i64: 1024, 1024>}, {pipeline_mode = #tpu.pipeline_mode<synchronous>, transform_indices = @transform_2, window_bounds = array<i64: 1024, 1024>}, {pipeline_mode = #tpu.pipeline_mode<synchronous>, transform_indices = @transform_3, window_bounds = array<i64: 1024, 1024>}, {pipeline_mode = #tpu.pipeline_mode<synchronous>, transform_indices = @transform_4, window_bounds = array<i64: 1024, 64>}, {pipeline_mode = #tpu.pipeline_mode<synchronous>, transform_indices = @transform_5, window_bounds = array<i64: 1024, 64>}, {transform_indices = @transform_6, window_bounds = array<i64: 1, 1, 1>}, {transform_indices = @transform_7, window_bounds = array<i64: 1, 1024, 1024>}]} {
    %get3A = arith.constant 0 : index
    %get3A_0 = arith.constant 0 : index
    %get3A_1 = arith.constant 0 : index
    %get3A_2 = vector.load %arg7[%get3A, %get3A_0, %get3A_1] : memref<1x1x1xf32, #tpu.memory_space<vmem>>, vector<1x1x1xf32>
    %get3A_3 = vector.shape_cast %get3A_2 : vector<1x1x1xf32> to vector<1x1xf32>
    %convert_element_type3A = arith.fptosi %get3A_3 : vector<1x1xf32> to vector<1x1xi32>
    %iota3A = tpu.iota {dimensions = array<i32: 0>} : vector<1024x1xi32>
    %lt3A = vector.broadcast %convert_element_type3A : vector<1x1xi32> to vector<1024x1xi32>
    %lt3A_4 = arith.cmpi slt, %iota3A, %lt3A : vector<1024x1xi32>
    %get3A_5 = arith.constant 0 : index
    %get3A_6 = arith.constant 0 : index
    %get3A_7 = vector.load %arg5[%get3A_5, %get3A_6] : memref<1024x64xf32, #tpu.memory_space<vmem>>, vector<1024x64xf32>
    %get3A_8 = arith.constant 0 : index
    %get3A_9 = arith.constant 0 : index
    %get3A_10 = vector.load %arg6[%get3A_8, %get3A_9] : memref<1024x64xf32, #tpu.memory_space<vmem>>, vector<1024x64xf32>
    %concatenate3A = tpu.concatenate %get3A_7, %get3A_7 in 1 : vector<1024x64xf32>, vector<1024x64xf32> -> vector<1024x128xf32>
    %concatenate3A_11 = tpu.concatenate %get3A_10, %get3A_10 in 1 : vector<1024x64xf32>, vector<1024x64xf32> -> vector<1024x128xf32>
    %get3A_12 = arith.constant 0 : index
    %get3A_13 = arith.constant 0 : index
    %get3A_14 = arith.constant 0 : index
    %get3A_15 = vector.load %arg1[%get3A_12, %get3A_13, %get3A_14] : memref<1x1024x1024xf32, #tpu.memory_space<vmem>>, vector<1x1024x1024xf32>
    %get3A_16 = vector.shape_cast %get3A_15 : vector<1x1024x1024xf32> to vector<1024x1024xf32>
    %get3A_17 = arith.constant 0 : index
    %get3A_18 = arith.constant 0 : index
    %get3A_19 = vector.load %arg2[%get3A_17, %get3A_18] : memref<1024x1024xf32, #tpu.memory_space<vmem>>, vector<1024x1024xf32>
    %dot_general3A = arith.constant dense<0.000000e+00> : vector<1024x1024xf32>
    %dot_general3A_20 = tpu.matmul %get3A_16, %get3A_19, %dot_general3A {dimension_numbers = #tpu.dot_dimension_numbers<[1], [0], [0], [1], [0, 0, 1, 1], [], []>, transpose_lhs_hint = false} : vector<1024x1024xf32>, vector<1024x1024xf32>, vector<1024x1024xf32> -> vector<1024x1024xf32>
    %jit3A = arith.constant 0.000000e+00 : f32
    %broadcast_in_dim3A = vector.shape_cast %lt3A_4 : vector<1024x1xi1> to vector<1024x1xi1>
    %broadcast_in_dim3A_21 = vector.broadcast %broadcast_in_dim3A : vector<1024x1xi1> to vector<1024x1024xi1>
    %broadcast_in_dim3A_22 = vector.broadcast %jit3A : f32 to vector<1024x1024xf32>
    %select_n3A = arith.select %broadcast_in_dim3A_21, %dot_general3A_20, %broadcast_in_dim3A_22 : vector<1024x1024xi1>, vector<1024x1024xf32>
    %slice3A = vector.extract_strided_slice %select_n3A {offsets = [0, 0], sizes = [1024, 128], strides = [1, 1]} : vector<1024x1024xf32> to vector<1024x128xf32>
    %slice3A_23 = vector.extract_strided_slice %slice3A {offsets = [0, 32], sizes = [1024, 32], strides = [1, 1]} : vector<1024x128xf32> to vector<1024x32xf32>
    %neg3A = arith.constant 0.000000e+00 : f32
    %neg3A_24 = vector.broadcast %neg3A : f32 to vector<1024x32xf32>
    %neg3A_25 = arith.subf %neg3A_24, %slice3A_23 : vector<1024x32xf32>
    %slice3A_26 = vector.extract_strided_slice %slice3A {offsets = [0, 0], sizes = [1024, 32], strides = [1, 1]} : vector<1024x128xf32> to vector<1024x32xf32>
    %slice3A_27 = vector.extract_strided_slice %slice3A {offsets = [0, 96], sizes = [1024, 32], strides = [1, 1]} : vector<1024x128xf32> to vector<1024x32xf32>
    %neg3A_28 = arith.constant 0.000000e+00 : f32
    %neg3A_29 = vector.broadcast %neg3A_28 : f32 to vector<1024x32xf32>
    %neg3A_30 = arith.subf %neg3A_29, %slice3A_27 : vector<1024x32xf32>
    %slice3A_31 = vector.extract_strided_slice %slice3A {offsets = [0, 64], sizes = [1024, 32], strides = [1, 1]} : vector<1024x128xf32> to vector<1024x32xf32>
    %concatenate3A_32 = tpu.concatenate %neg3A_25, %slice3A_26, %neg3A_30, %slice3A_31 in 1 : vector<1024x32xf32>, vector<1024x32xf32>, vector<1024x32xf32>, vector<1024x32xf32> -> vector<1024x128xf32>
    %mul3A = arith.mulf %slice3A, %concatenate3A : vector<1024x128xf32>
    %mul3A_33 = arith.mulf %concatenate3A_32, %concatenate3A_11 : vector<1024x128xf32>
    %add3A = arith.addf %mul3A, %mul3A_33 : vector<1024x128xf32>
    %swap3A = arith.constant 0 : index
    %swap3A_34 = arith.constant 0 : index
    %swap3A_35 = arith.constant 0 : index
    %swap3A_36 = vector.load %arg9[%swap3A, %swap3A_34, %swap3A_35] : memref<8x1024x128xf32, #tpu.memory_space<vmem>>, vector<1x1024x128xf32>
    %swap3A_37 = vector.shape_cast %swap3A_36 : vector<1x1024x128xf32> to vector<1024x128xf32>
    %swap3A_38 = vector.shape_cast %add3A : vector<1024x128xf32> to vector<1x1024x128xf32>
    tpu.vector_store %arg9[%swap3A, %swap3A_34, %swap3A_35], %swap3A_38 {strides = array<i32>} : memref<8x1024x128xf32, #tpu.memory_space<vmem>>, vector<1x1024x128xf32>,
    %slice3A_39 = vector.extract_strided_slice %select_n3A {offsets = [0, 128], sizes = [1024, 128], strides = [1, 1]} : vector<1024x1024xf32> to vector<1024x128xf32>
    %slice3A_40 = vector.extract_strided_slice %slice3A_39 {offsets = [0, 32], sizes = [1024, 32], strides = [1, 1]} : vector<1024x128xf32> to vector<1024x32xf32>
    %neg3A_41 = arith.constant 0.000000e+00 : f32
    %neg3A_42 = vector.broadcast %neg3A_41 : f32 to vector<1024x32xf32>
    %neg3A_43 = arith.subf %neg3A_42, %slice3A_40 : vector<1024x32xf32>
    %slice3A_44 = vector.extract_strided_slice %slice3A_39 {offsets = [0, 0], sizes = [1024, 32], strides = [1, 1]} : vector<1024x128xf32> to vector<1024x32xf32>
    %slice3A_45 = vector.extract_strided_slice %slice3A_39 {offsets = [0, 96], sizes = [1024, 32], strides = [1, 1]} : vector<1024x128xf32> to vector<1024x32xf32>
    %neg3A_46 = arith.constant 0.000000e+00 : f32
    %neg3A_47 = vector.broadcast %neg3A_46 : f32 to vector<1024x32xf32>
    %neg3A_48 = arith.subf %neg3A_47, %slice3A_45 : vector<1024x32xf32>
    %slice3A_49 = vector.extract_strided_slice %slice3A_39 {offsets = [0, 64], sizes = [1024, 32], strides = [1, 1]} : vector<1024x128xf32> to vector<1024x32xf32>
    %concatenate3A_50 = tpu.concatenate %neg3A_43, %slice3A_44, %neg3A_48, %slice3A_49 in 1 : vector<1024x32xf32>, vector<1024x32xf32>, vector<1024x32xf32>, vector<1024x32xf32> -> vector<1024x128xf32>
    %mul3A_51 = arith.mulf %slice3A_39, %concatenate3A : vector<1024x128xf32>
    %mul3A_52 = arith.mulf %concatenate3A_50, %concatenate3A_11 : vector<1024x128xf32>
    %add3A_53 = arith.addf %mul3A_51, %mul3A_52 : vector<1024x128xf32>
    %swap3A_54 = arith.constant 1 : index
    %swap3A_55 = arith.constant 0 : index
    %swap3A_56 = arith.constant 0 : index
    %swap3A_57 = vector.load %arg9[%swap3A_54, %swap3A_55, %swap3A_56] : memref<8x1024x128xf32, #tpu.memory_space<vmem>>, vector<1x1024x128xf32>
    %swap3A_58 = vector.shape_cast %swap3A_57 : vector<1x1024x128xf32> to vector<1024x128xf32>
    %swap3A_59 = vector.shape_cast %add3A_53 : vector<1024x128xf32> to vector<1x1024x128xf32>
    tpu.vector_store %arg9[%swap3A_54, %swap3A_55, %swap3A_56], %swap3A_59 {strides = array<i32>} : memref<8x1024x128xf32, #tpu.memory_space<vmem>>, vector<1x1024x128xf32>,
    %slice3A_60 = vector.extract_strided_slice %select_n3A {offsets = [0, 256], sizes = [1024, 128], strides = [1, 1]} : vector<1024x1024xf32> to vector<1024x128xf32>
    %slice3A_61 = vector.extract_strided_slice %slice3A_60 {offsets = [0, 32], sizes = [1024, 32], strides = [1, 1]} : vector<1024x128xf32> to vector<1024x32xf32>
    %neg3A_62 = arith.constant 0.000000e+00 : f32
    %neg3A_63 = vector.broadcast %neg3A_62 : f32 to vector<1024x32xf32>
    %neg3A_64 = arith.subf %neg3A_63, %slice3A_61 : vector<1024x32xf32>
    %slice3A_65 = vector.extract_strided_slice %slice3A_60 {offsets = [0, 0], sizes = [1024, 32], strides = [1, 1]} : vector<1024x128xf32> to vector<1024x32xf32>
    %slice3A_66 = vector.extract_strided_slice %slice3A_60 {offsets = [0, 96], sizes = [1024, 32], strides = [1, 1]} : vector<1024x128xf32> to vector<1024x32xf32>
    %neg3A_67 = arith.constant 0.000000e+00 : f32
    %neg3A_68 = vector.broadcast %neg3A_67 : f32 to vector<1024x32xf32>
    %neg3A_69 = arith.subf %neg3A_68, %slice3A_66 : vector<1024x32xf32>
    %slice3A_70 = vector.extract_strided_slice %slice3A_60 {offsets = [0, 64], sizes = [1024, 32], strides = [1, 1]} : vector<1024x128xf32> to vector<1024x32xf32>
    %concatenate3A_71 = tpu.concatenate %neg3A_64, %slice3A_65, %neg3A_69, %slice3A_70 in 1 : vector<1024x32xf32>, vector<1024x32xf32>, vector<1024x32xf32>, vector<1024x32xf32> -> vector<1024x128xf32>
    %mul3A_72 = arith.mulf %slice3A_60, %concatenate3A : vector<1024x128xf32>
    %mul3A_73 = arith.mulf %concatenate3A_71, %concatenate3A_11 : vector<1024x128xf32>
    %add3A_74 = arith.addf %mul3A_72, %mul3A_73 : vector<1024x128xf32>
    %swap3A_75 = arith.constant 2 : index
    %swap3A_76 = arith.constant 0 : index
    %swap3A_77 = arith.constant 0 : index
    %swap3A_78 = vector.load %arg9[%swap3A_75, %swap3A_76, %swap3A_77] : memref<8x1024x128xf32, #tpu.memory_space<vmem>>, vector<1x1024x128xf32>
    %swap3A_79 = vector.shape_cast %swap3A_78 : vector<1x1024x128xf32> to vector<1024x128xf32>
    %swap3A_80 = vector.shape_cast %add3A_74 : vector<1024x128xf32> to vector<1x1024x128xf32>
    tpu.vector_store %arg9[%swap3A_75, %swap3A_76, %swap3A_77], %swap3A_80 {strides = array<i32>} : memref<8x1024x128xf32, #tpu.memory_space<vmem>>, vector<1x1024x128xf32>,
    %slice3A_81 = vector.extract_strided_slice %select_n3A {offsets = [0, 384], sizes = [1024, 128], strides = [1, 1]} : vector<1024x1024xf32> to vector<1024x128xf32>
    %slice3A_82 = vector.extract_strided_slice %slice3A_81 {offsets = [0, 32], sizes = [1024, 32], strides = [1, 1]} : vector<1024x128xf32> to vector<1024x32xf32>
    %neg3A_83 = arith.constant 0.000000e+00 : f32
    %neg3A_84 = vector.broadcast %neg3A_83 : f32 to vector<1024x32xf32>
    %neg3A_85 = arith.subf %neg3A_84, %slice3A_82 : vector<1024x32xf32>
    %slice3A_86 = vector.extract_strided_slice %slice3A_81 {offsets = [0, 0], sizes = [1024, 32], strides = [1, 1]} : vector<1024x128xf32> to vector<1024x32xf32>
    %slice3A_87 = vector.extract_strided_slice %slice3A_81 {offsets = [0, 96], sizes = [1024, 32], strides = [1, 1]} : vector<1024x128xf32> to vector<1024x32xf32>
    %neg3A_88 = arith.constant 0.000000e+00 : f32
    %neg3A_89 = vector.broadcast %neg3A_88 : f32 to vector<1024x32xf32>
    %neg3A_90 = arith.subf %neg3A_89, %slice3A_87 : vector<1024x32xf32>
    %slice3A_91 = vector.extract_strided_slice %slice3A_81 {offsets = [0, 64], sizes = [1024, 32], strides = [1, 1]} : vector<1024x128xf32> to vector<1024x32xf32>
    %concatenate3A_92 = tpu.concatenate %neg3A_85, %slice3A_86, %neg3A_90, %slice3A_91 in 1 : vector<1024x32xf32>, vector<1024x32xf32>, vector<1024x32xf32>, vector<1024x32xf32> -> vector<1024x128xf32>
    %mul3A_93 = arith.mulf %slice3A_81, %concatenate3A : vector<1024x128xf32>
    %mul3A_94 = arith.mulf %concatenate3A_92, %concatenate3A_11 : vector<1024x128xf32>
    %add3A_95 = arith.addf %mul3A_93, %mul3A_94 : vector<1024x128xf32>
    %swap3A_96 = arith.constant 3 : index
    %swap3A_97 = arith.constant 0 : index
    %swap3A_98 = arith.constant 0 : index
    %swap3A_99 = vector.load %arg9[%swap3A_96, %swap3A_97, %swap3A_98] : memref<8x1024x128xf32, #tpu.memory_space<vmem>>, vector<1x1024x128xf32>
    %swap3A_100 = vector.shape_cast %swap3A_99 : vector<1x1024x128xf32> to vector<1024x128xf32>
    %swap3A_101 = vector.shape_cast %add3A_95 : vector<1024x128xf32> to vector<1x1024x128xf32>
    tpu.vector_store %arg9[%swap3A_96, %swap3A_97, %swap3A_98], %swap3A_101 {strides = array<i32>} : memref<8x1024x128xf32, #tpu.memory_space<vmem>>, vector<1x1024x128xf32>,
    %slice3A_102 = vector.extract_strided_slice %select_n3A {offsets = [0, 512], sizes = [1024, 128], strides = [1, 1]} : vector<1024x1024xf32> to vector<1024x128xf32>
    %slice3A_103 = vector.extract_strided_slice %slice3A_102 {offsets = [0, 32], sizes = [1024, 32], strides = [1, 1]} : vector<1024x128xf32> to vector<1024x32xf32>
    %neg3A_104 = arith.constant 0.000000e+00 : f32
    %neg3A_105 = vector.broadcast %neg3A_104 : f32 to vector<1024x32xf32>
    %neg3A_106 = arith.subf %neg3A_105, %slice3A_103 : vector<1024x32xf32>
    %slice3A_107 = vector.extract_strided_slice %slice3A_102 {offsets = [0, 0], sizes = [1024, 32], strides = [1, 1]} : vector<1024x128xf32> to vector<1024x32xf32>
    %slice3A_108 = vector.extract_strided_slice %slice3A_102 {offsets = [0, 96], sizes = [1024, 32], strides = [1, 1]} : vector<1024x128xf32> to vector<1024x32xf32>
    %neg3A_109 = arith.constant 0.000000e+00 : f32
    %neg3A_110 = vector.broadcast %neg3A_109 : f32 to vector<1024x32xf32>
    %neg3A_111 = arith.subf %neg3A_110, %slice3A_108 : vector<1024x32xf32>
    %slice3A_112 = vector.extract_strided_slice %slice3A_102 {offsets = [0, 64], sizes = [1024, 32], strides = [1, 1]} : vector<1024x128xf32> to vector<1024x32xf32>
    %concatenate3A_113 = tpu.concatenate %neg3A_106, %slice3A_107, %neg3A_111, %slice3A_112 in 1 : vector<1024x32xf32>, vector<1024x32xf32>, vector<1024x32xf32>, vector<1024x32xf32> -> vector<1024x128xf32>
    %mul3A_114 = arith.mulf %slice3A_102, %concatenate3A : vector<1024x128xf32>
    %mul3A_115 = arith.mulf %concatenate3A_113, %concatenate3A_11 : vector<1024x128xf32>
    %add3A_116 = arith.addf %mul3A_114, %mul3A_115 : vector<1024x128xf32>
    %swap3A_117 = arith.constant 4 : index
    %swap3A_118 = arith.constant 0 : index
    %swap3A_119 = arith.constant 0 : index
    %swap3A_120 = vector.load %arg9[%swap3A_117, %swap3A_118, %swap3A_119] : memref<8x1024x128xf32, #tpu.memory_space<vmem>>, vector<1x1024x128xf32>
    %swap3A_121 = vector.shape_cast %swap3A_120 : vector<1x1024x128xf32> to vector<1024x128xf32>
    %swap3A_122 = vector.shape_cast %add3A_116 : vector<1024x128xf32> to vector<1x1024x128xf32>
    tpu.vector_store %arg9[%swap3A_117, %swap3A_118, %swap3A_119], %swap3A_122 {strides = array<i32>} : memref<8x1024x128xf32, #tpu.memory_space<vmem>>, vector<1x1024x128xf32>,
    %slice3A_123 = vector.extract_strided_slice %select_n3A {offsets = [0, 640], sizes = [1024, 128], strides = [1, 1]} : vector<1024x1024xf32> to vector<1024x128xf32>
    %slice3A_124 = vector.extract_strided_slice %slice3A_123 {offsets = [0, 32], sizes = [1024, 32], strides = [1, 1]} : vector<1024x128xf32> to vector<1024x32xf32>
    %neg3A_125 = arith.constant 0.000000e+00 : f32
    %neg3A_126 = vector.broadcast %neg3A_125 : f32 to vector<1024x32xf32>
    %neg3A_127 = arith.subf %neg3A_126, %slice3A_124 : vector<1024x32xf32>
    %slice3A_128 = vector.extract_strided_slice %slice3A_123 {offsets = [0, 0], sizes = [1024, 32], strides = [1, 1]} : vector<1024x128xf32> to vector<1024x32xf32>
    %slice3A_129 = vector.extract_strided_slice %slice3A_123 {offsets = [0, 96], sizes = [1024, 32], strides = [1, 1]} : vector<1024x128xf32> to vector<1024x32xf32>
    %neg3A_130 = arith.constant 0.000000e+00 : f32
    %neg3A_131 = vector.broadcast %neg3A_130 : f32 to vector<1024x32xf32>
    %neg3A_132 = arith.subf %neg3A_131, %slice3A_129 : vector<1024x32xf32>
    %slice3A_133 = vector.extract_strided_slice %slice3A_123 {offsets = [0, 64], sizes = [1024, 32], strides = [1, 1]} : vector<1024x128xf32> to vector<1024x32xf32>
    %concatenate3A_134 = tpu.concatenate %neg3A_127, %slice3A_128, %neg3A_132, %slice3A_133 in 1 : vector<1024x32xf32>, vector<1024x32xf32>, vector<1024x32xf32>, vector<1024x32xf32> -> vector<1024x128xf32>
    %mul3A_135 = arith.mulf %slice3A_123, %concatenate3A : vector<1024x128xf32>
    %mul3A_136 = arith.mulf %concatenate3A_134, %concatenate3A_11 : vector<1024x128xf32>
    %add3A_137 = arith.addf %mul3A_135, %mul3A_136 : vector<1024x128xf32>
    %swap3A_138 = arith.constant 5 : index
    %swap3A_139 = arith.constant 0 : index
    %swap3A_140 = arith.constant 0 : index
    %swap3A_141 = vector.load %arg9[%swap3A_138, %swap3A_139, %swap3A_140] : memref<8x1024x128xf32, #tpu.memory_space<vmem>>, vector<1x1024x128xf32>
    %swap3A_142 = vector.shape_cast %swap3A_141 : vector<1x1024x128xf32> to vector<1024x128xf32>
    %swap3A_143 = vector.shape_cast %add3A_137 : vector<1024x128xf32> to vector<1x1024x128xf32>
    tpu.vector_store %arg9[%swap3A_138, %swap3A_139, %swap3A_140], %swap3A_143 {strides = array<i32>} : memref<8x1024x128xf32, #tpu.memory_space<vmem>>, vector<1x1024x128xf32>,
    %slice3A_144 = vector.extract_strided_slice %select_n3A {offsets = [0, 768], sizes = [1024, 128], strides = [1, 1]} : vector<1024x1024xf32> to vector<1024x128xf32>
    %slice3A_145 = vector.extract_strided_slice %slice3A_144 {offsets = [0, 32], sizes = [1024, 32], strides = [1, 1]} : vector<1024x128xf32> to vector<1024x32xf32>
    %neg3A_146 = arith.constant 0.000000e+00 : f32
    %neg3A_147 = vector.broadcast %neg3A_146 : f32 to vector<1024x32xf32>
    %neg3A_148 = arith.subf %neg3A_147, %slice3A_145 : vector<1024x32xf32>
    %slice3A_149 = vector.extract_strided_slice %slice3A_144 {offsets = [0, 0], sizes = [1024, 32], strides = [1, 1]} : vector<1024x128xf32> to vector<1024x32xf32>
    %slice3A_150 = vector.extract_strided_slice %slice3A_144 {offsets = [0, 96], sizes = [1024, 32], strides = [1, 1]} : vector<1024x128xf32> to vector<1024x32xf32>
    %neg3A_151 = arith.constant 0.000000e+00 : f32
    %neg3A_152 = vector.broadcast %neg3A_151 : f32 to vector<1024x32xf32>
    %neg3A_153 = arith.subf %neg3A_152, %slice3A_150 : vector<1024x32xf32>
    %slice3A_154 = vector.extract_strided_slice %slice3A_144 {offsets = [0, 64], sizes = [1024, 32], strides = [1, 1]} : vector<1024x128xf32> to vector<1024x32xf32>
    %concatenate3A_155 = tpu.concatenate %neg3A_148, %slice3A_149, %neg3A_153, %slice3A_154 in 1 : vector<1024x32xf32>, vector<1024x32xf32>, vector<1024x32xf32>, vector<1024x32xf32> -> vector<1024x128xf32>
    %mul3A_156 = arith.mulf %slice3A_144, %concatenate3A : vector<1024x128xf32>
    %mul3A_157 = arith.mulf %concatenate3A_155, %concatenate3A_11 : vector<1024x128xf32>
    %add3A_158 = arith.addf %mul3A_156, %mul3A_157 : vector<1024x128xf32>
    %swap3A_159 = arith.constant 6 : index
    %swap3A_160 = arith.constant 0 : index
    %swap3A_161 = arith.constant 0 : index
    %swap3A_162 = vector.load %arg9[%swap3A_159, %swap3A_160, %swap3A_161] : memref<8x1024x128xf32, #tpu.memory_space<vmem>>, vector<1x1024x128xf32>
    %swap3A_163 = vector.shape_cast %swap3A_162 : vector<1x1024x128xf32> to vector<1024x128xf32>
    %swap3A_164 = vector.shape_cast %add3A_158 : vector<1024x128xf32> to vector<1x1024x128xf32>
    tpu.vector_store %arg9[%swap3A_159, %swap3A_160, %swap3A_161], %swap3A_164 {strides = array<i32>} : memref<8x1024x128xf32, #tpu.memory_space<vmem>>, vector<1x1024x128xf32>,
    %slice3A_165 = vector.extract_strided_slice %select_n3A {offsets = [0, 896], sizes = [1024, 128], strides = [1, 1]} : vector<1024x1024xf32> to vector<1024x128xf32>
    %slice3A_166 = vector.extract_strided_slice %slice3A_165 {offsets = [0, 32], sizes = [1024, 32], strides = [1, 1]} : vector<1024x128xf32> to vector<1024x32xf32>
    %neg3A_167 = arith.constant 0.000000e+00 : f32
    %neg3A_168 = vector.broadcast %neg3A_167 : f32 to vector<1024x32xf32>
    %neg3A_169 = arith.subf %neg3A_168, %slice3A_166 : vector<1024x32xf32>
    %slice3A_170 = vector.extract_strided_slice %slice3A_165 {offsets = [0, 0], sizes = [1024, 32], strides = [1, 1]} : vector<1024x128xf32> to vector<1024x32xf32>
    %slice3A_171 = vector.extract_strided_slice %slice3A_165 {offsets = [0, 96], sizes = [1024, 32], strides = [1, 1]} : vector<1024x128xf32> to vector<1024x32xf32>
    %neg3A_172 = arith.constant 0.000000e+00 : f32
    %neg3A_173 = vector.broadcast %neg3A_172 : f32 to vector<1024x32xf32>
    %neg3A_174 = arith.subf %neg3A_173, %slice3A_171 : vector<1024x32xf32>
    %slice3A_175 = vector.extract_strided_slice %slice3A_165 {offsets = [0, 64], sizes = [1024, 32], strides = [1, 1]} : vector<1024x128xf32> to vector<1024x32xf32>
    %concatenate3A_176 = tpu.concatenate %neg3A_169, %slice3A_170, %neg3A_174, %slice3A_175 in 1 : vector<1024x32xf32>, vector<1024x32xf32>, vector<1024x32xf32>, vector<1024x32xf32> -> vector<1024x128xf32>
    %mul3A_177 = arith.mulf %slice3A_165, %concatenate3A : vector<1024x128xf32>
    %mul3A_178 = arith.mulf %concatenate3A_176, %concatenate3A_11 : vector<1024x128xf32>
    %add3A_179 = arith.addf %mul3A_177, %mul3A_178 : vector<1024x128xf32>
    %swap3A_180 = arith.constant 7 : index
    %swap3A_181 = arith.constant 0 : index
    %swap3A_182 = arith.constant 0 : index
    %swap3A_183 = vector.load %arg9[%swap3A_180, %swap3A_181, %swap3A_182] : memref<8x1024x128xf32, #tpu.memory_space<vmem>>, vector<1x1024x128xf32>
    %swap3A_184 = vector.shape_cast %swap3A_183 : vector<1x1024x128xf32> to vector<1024x128xf32>
    %swap3A_185 = vector.shape_cast %add3A_179 : vector<1024x128xf32> to vector<1x1024x128xf32>
    tpu.vector_store %arg9[%swap3A_180, %swap3A_181, %swap3A_182], %swap3A_185 {strides = array<i32>} : memref<8x1024x128xf32, #tpu.memory_space<vmem>>, vector<1x1024x128xf32>,
    %get3A_186 = arith.constant 0 : index
    %get3A_187 = arith.constant 0 : index
    %get3A_188 = arith.constant 0 : index
    %get3A_189 = vector.load %arg1[%get3A_186, %get3A_187, %get3A_188] : memref<1x1024x1024xf32, #tpu.memory_space<vmem>>, vector<1x1024x1024xf32>
    %get3A_190 = vector.shape_cast %get3A_189 : vector<1x1024x1024xf32> to vector<1024x1024xf32>
    %get3A_191 = arith.constant 0 : index
    %get3A_192 = arith.constant 0 : index
    %get3A_193 = vector.load %arg3[%get3A_191, %get3A_192] : memref<1024x1024xf32, #tpu.memory_space<vmem>>, vector<1024x1024xf32>
    %dot_general3A_194 = arith.constant dense<0.000000e+00> : vector<1024x1024xf32>
    %dot_general3A_195 = tpu.matmul %get3A_190, %get3A_193, %dot_general3A_194 {dimension_numbers = #tpu.dot_dimension_numbers<[1], [0], [0], [1], [0, 0, 1, 1], [], []>, transpose_lhs_hint = false} : vector<1024x1024xf32>, vector<1024x1024xf32>, vector<1024x1024xf32> -> vector<1024x1024xf32>
    %jit3A_196 = arith.constant 0.000000e+00 : f32
    %broadcast_in_dim3A_197 = vector.shape_cast %lt3A_4 : vector<1024x1xi1> to vector<1024x1xi1>
    %broadcast_in_dim3A_198 = vector.broadcast %broadcast_in_dim3A_197 : vector<1024x1xi1> to vector<1024x1024xi1>
    %broadcast_in_dim3A_199 = vector.broadcast %jit3A_196 : f32 to vector<1024x1024xf32>
    %select_n3A_200 = arith.select %broadcast_in_dim3A_198, %dot_general3A_195, %broadcast_in_dim3A_199 : vector<1024x1024xi1>, vector<1024x1024xf32>
    %slice3A_201 = vector.extract_strided_slice %select_n3A_200 {offsets = [0, 0], sizes = [1024, 128], strides = [1, 1]} : vector<1024x1024xf32> to vector<1024x128xf32>
    %slice3A_202 = vector.extract_strided_slice %slice3A_201 {offsets = [0, 32], sizes = [1024, 32], strides = [1, 1]} : vector<1024x128xf32> to vector<1024x32xf32>
    %neg3A_203 = arith.constant 0.000000e+00 : f32
    %neg3A_204 = vector.broadcast %neg3A_203 : f32 to vector<1024x32xf32>
    %neg3A_205 = arith.subf %neg3A_204, %slice3A_202 : vector<1024x32xf32>
    %slice3A_206 = vector.extract_strided_slice %slice3A_201 {offsets = [0, 0], sizes = [1024, 32], strides = [1, 1]} : vector<1024x128xf32> to vector<1024x32xf32>
    %slice3A_207 = vector.extract_strided_slice %slice3A_201 {offsets = [0, 96], sizes = [1024, 32], strides = [1, 1]} : vector<1024x128xf32> to vector<1024x32xf32>
    %neg3A_208 = arith.constant 0.000000e+00 : f32
    %neg3A_209 = vector.broadcast %neg3A_208 : f32 to vector<1024x32xf32>
    %neg3A_210 = arith.subf %neg3A_209, %slice3A_207 : vector<1024x32xf32>
    %slice3A_211 = vector.extract_strided_slice %slice3A_201 {offsets = [0, 64], sizes = [1024, 32], strides = [1, 1]} : vector<1024x128xf32> to vector<1024x32xf32>
    %concatenate3A_212 = tpu.concatenate %neg3A_205, %slice3A_206, %neg3A_210, %slice3A_211 in 1 : vector<1024x32xf32>, vector<1024x32xf32>, vector<1024x32xf32>, vector<1024x32xf32> -> vector<1024x128xf32>
    %mul3A_213 = arith.mulf %slice3A_201, %concatenate3A : vector<1024x128xf32>
    %mul3A_214 = arith.mulf %concatenate3A_212, %concatenate3A_11 : vector<1024x128xf32>
    %add3A_215 = arith.addf %mul3A_213, %mul3A_214 : vector<1024x128xf32>
    %swap3A_216 = arith.constant 0 : index
    %swap3A_217 = arith.constant 0 : index
    %swap3A_218 = arith.constant 0 : index
    %swap3A_219 = vector.load %arg10[%swap3A_216, %swap3A_217, %swap3A_218] : memref<8x1024x128xf32, #tpu.memory_space<vmem>>, vector<1x1024x128xf32>
    %swap3A_220 = vector.shape_cast %swap3A_219 : vector<1x1024x128xf32> to vector<1024x128xf32>
    %swap3A_221 = vector.shape_cast %add3A_215 : vector<1024x128xf32> to vector<1x1024x128xf32>
    tpu.vector_store %arg10[%swap3A_216, %swap3A_217, %swap3A_218], %swap3A_221 {strides = array<i32>} : memref<8x1024x128xf32, #tpu.memory_space<vmem>>, vector<1x1024x128xf32>,
    %slice3A_222 = vector.extract_strided_slice %select_n3A_200 {offsets = [0, 128], sizes = [1024, 128], strides = [1, 1]} : vector<1024x1024xf32> to vector<1024x128xf32>
    %slice3A_223 = vector.extract_strided_slice %slice3A_222 {offsets = [0, 32], sizes = [1024, 32], strides = [1, 1]} : vector<1024x128xf32> to vector<1024x32xf32>
    %neg3A_224 = arith.constant 0.000000e+00 : f32
    %neg3A_225 = vector.broadcast %neg3A_224 : f32 to vector<1024x32xf32>
    %neg3A_226 = arith.subf %neg3A_225, %slice3A_223 : vector<1024x32xf32>
    %slice3A_227 = vector.extract_strided_slice %slice3A_222 {offsets = [0, 0], sizes = [1024, 32], strides = [1, 1]} : vector<1024x128xf32> to vector<1024x32xf32>
    %slice3A_228 = vector.extract_strided_slice %slice3A_222 {offsets = [0, 96], sizes = [1024, 32], strides = [1, 1]} : vector<1024x128xf32> to vector<1024x32xf32>
    %neg3A_229 = arith.constant 0.000000e+00 : f32
    %neg3A_230 = vector.broadcast %neg3A_229 : f32 to vector<1024x32xf32>
    %neg3A_231 = arith.subf %neg3A_230, %slice3A_228 : vector<1024x32xf32>
    %slice3A_232 = vector.extract_strided_slice %slice3A_222 {offsets = [0, 64], sizes = [1024, 32], strides = [1, 1]} : vector<1024x128xf32> to vector<1024x32xf32>
    %concatenate3A_233 = tpu.concatenate %neg3A_226, %slice3A_227, %neg3A_231, %slice3A_232 in 1 : vector<1024x32xf32>, vector<1024x32xf32>, vector<1024x32xf32>, vector<1024x32xf32> -> vector<1024x128xf32>
    %mul3A_234 = arith.mulf %slice3A_222, %concatenate3A : vector<1024x128xf32>
    %mul3A_235 = arith.mulf %concatenate3A_233, %concatenate3A_11 : vector<1024x128xf32>
    %add3A_236 = arith.addf %mul3A_234, %mul3A_235 : vector<1024x128xf32>
    %swap3A_237 = arith.constant 1 : index
    %swap3A_238 = arith.constant 0 : index
    %swap3A_239 = arith.constant 0 : index
    %swap3A_240 = vector.load %arg10[%swap3A_237, %swap3A_238, %swap3A_239] : memref<8x1024x128xf32, #tpu.memory_space<vmem>>, vector<1x1024x128xf32>
    %swap3A_241 = vector.shape_cast %swap3A_240 : vector<1x1024x128xf32> to vector<1024x128xf32>
    %swap3A_242 = vector.shape_cast %add3A_236 : vector<1024x128xf32> to vector<1x1024x128xf32>
    tpu.vector_store %arg10[%swap3A_237, %swap3A_238, %swap3A_239], %swap3A_242 {strides = array<i32>} : memref<8x1024x128xf32, #tpu.memory_space<vmem>>, vector<1x1024x128xf32>,
    %slice3A_243 = vector.extract_strided_slice %select_n3A_200 {offsets = [0, 256], sizes = [1024, 128], strides = [1, 1]} : vector<1024x1024xf32> to vector<1024x128xf32>
    %slice3A_244 = vector.extract_strided_slice %slice3A_243 {offsets = [0, 32], sizes = [1024, 32], strides = [1, 1]} : vector<1024x128xf32> to vector<1024x32xf32>
    %neg3A_245 = arith.constant 0.000000e+00 : f32
    %neg3A_246 = vector.broadcast %neg3A_245 : f32 to vector<1024x32xf32>
    %neg3A_247 = arith.subf %neg3A_246, %slice3A_244 : vector<1024x32xf32>
    %slice3A_248 = vector.extract_strided_slice %slice3A_243 {offsets = [0, 0], sizes = [1024, 32], strides = [1, 1]} : vector<1024x128xf32> to vector<1024x32xf32>
    %slice3A_249 = vector.extract_strided_slice %slice3A_243 {offsets = [0, 96], sizes = [1024, 32], strides = [1, 1]} : vector<1024x128xf32> to vector<1024x32xf32>
    %neg3A_250 = arith.constant 0.000000e+00 : f32
    %neg3A_251 = vector.broadcast %neg3A_250 : f32 to vector<1024x32xf32>
    %neg3A_252 = arith.subf %neg3A_251, %slice3A_249 : vector<1024x32xf32>
    %slice3A_253 = vector.extract_strided_slice %slice3A_243 {offsets = [0, 64], sizes = [1024, 32], strides = [1, 1]} : vector<1024x128xf32> to vector<1024x32xf32>
    %concatenate3A_254 = tpu.concatenate %neg3A_247, %slice3A_248, %neg3A_252, %slice3A_253 in 1 : vector<1024x32xf32>, vector<1024x32xf32>, vector<1024x32xf32>, vector<1024x32xf32> -> vector<1024x128xf32>
    %mul3A_255 = arith.mulf %slice3A_243, %concatenate3A : vector<1024x128xf32>
    %mul3A_256 = arith.mulf %concatenate3A_254, %concatenate3A_11 : vector<1024x128xf32>
    %add3A_257 = arith.addf %mul3A_255, %mul3A_256 : vector<1024x128xf32>
    %swap3A_258 = arith.constant 2 : index
    %swap3A_259 = arith.constant 0 : index
    %swap3A_260 = arith.constant 0 : index
    %swap3A_261 = vector.load %arg10[%swap3A_258, %swap3A_259, %swap3A_260] : memref<8x1024x128xf32, #tpu.memory_space<vmem>>, vector<1x1024x128xf32>
    %swap3A_262 = vector.shape_cast %swap3A_261 : vector<1x1024x128xf32> to vector<1024x128xf32>
    %swap3A_263 = vector.shape_cast %add3A_257 : vector<1024x128xf32> to vector<1x1024x128xf32>
    tpu.vector_store %arg10[%swap3A_258, %swap3A_259, %swap3A_260], %swap3A_263 {strides = array<i32>} : memref<8x1024x128xf32, #tpu.memory_space<vmem>>, vector<1x1024x128xf32>,
    %slice3A_264 = vector.extract_strided_slice %select_n3A_200 {offsets = [0, 384], sizes = [1024, 128], strides = [1, 1]} : vector<1024x1024xf32> to vector<1024x128xf32>
    %slice3A_265 = vector.extract_strided_slice %slice3A_264 {offsets = [0, 32], sizes = [1024, 32], strides = [1, 1]} : vector<1024x128xf32> to vector<1024x32xf32>
    %neg3A_266 = arith.constant 0.000000e+00 : f32
    %neg3A_267 = vector.broadcast %neg3A_266 : f32 to vector<1024x32xf32>
    %neg3A_268 = arith.subf %neg3A_267, %slice3A_265 : vector<1024x32xf32>
    %slice3A_269 = vector.extract_strided_slice %slice3A_264 {offsets = [0, 0], sizes = [1024, 32], strides = [1, 1]} : vector<1024x128xf32> to vector<1024x32xf32>
    %slice3A_270 = vector.extract_strided_slice %slice3A_264 {offsets = [0, 96], sizes = [1024, 32], strides = [1, 1]} : vector<1024x128xf32> to vector<1024x32xf32>
    %neg3A_271 = arith.constant 0.000000e+00 : f32
    %neg3A_272 = vector.broadcast %neg3A_271 : f32 to vector<1024x32xf32>
    %neg3A_273 = arith.subf %neg3A_272, %slice3A_270 : vector<1024x32xf32>
    %slice3A_274 = vector.extract_strided_slice %slice3A_264 {offsets = [0, 64], sizes = [1024, 32], strides = [1, 1]} : vector<1024x128xf32> to vector<1024x32xf32>
    %concatenate3A_275 = tpu.concatenate %neg3A_268, %slice3A_269, %neg3A_273, %slice3A_274 in 1 : vector<1024x32xf32>, vector<1024x32xf32>, vector<1024x32xf32>, vector<1024x32xf32> -> vector<1024x128xf32>
    %mul3A_276 = arith.mulf %slice3A_264, %concatenate3A : vector<1024x128xf32>
    %mul3A_277 = arith.mulf %concatenate3A_275, %concatenate3A_11 : vector<1024x128xf32>
    %add3A_278 = arith.addf %mul3A_276, %mul3A_277 : vector<1024x128xf32>
    %swap3A_279 = arith.constant 3 : index
    %swap3A_280 = arith.constant 0 : index
    %swap3A_281 = arith.constant 0 : index
    %swap3A_282 = vector.load %arg10[%swap3A_279, %swap3A_280, %swap3A_281] : memref<8x1024x128xf32, #tpu.memory_space<vmem>>, vector<1x1024x128xf32>
    %swap3A_283 = vector.shape_cast %swap3A_282 : vector<1x1024x128xf32> to vector<1024x128xf32>
    %swap3A_284 = vector.shape_cast %add3A_278 : vector<1024x128xf32> to vector<1x1024x128xf32>
    tpu.vector_store %arg10[%swap3A_279, %swap3A_280, %swap3A_281], %swap3A_284 {strides = array<i32>} : memref<8x1024x128xf32, #tpu.memory_space<vmem>>, vector<1x1024x128xf32>,
    %slice3A_285 = vector.extract_strided_slice %select_n3A_200 {offsets = [0, 512], sizes = [1024, 128], strides = [1, 1]} : vector<1024x1024xf32> to vector<1024x128xf32>
    %slice3A_286 = vector.extract_strided_slice %slice3A_285 {offsets = [0, 32], sizes = [1024, 32], strides = [1, 1]} : vector<1024x128xf32> to vector<1024x32xf32>
    %neg3A_287 = arith.constant 0.000000e+00 : f32
    %neg3A_288 = vector.broadcast %neg3A_287 : f32 to vector<1024x32xf32>
    %neg3A_289 = arith.subf %neg3A_288, %slice3A_286 : vector<1024x32xf32>
    %slice3A_290 = vector.extract_strided_slice %slice3A_285 {offsets = [0, 0], sizes = [1024, 32], strides = [1, 1]} : vector<1024x128xf32> to vector<1024x32xf32>
    %slice3A_291 = vector.extract_strided_slice %slice3A_285 {offsets = [0, 96], sizes = [1024, 32], strides = [1, 1]} : vector<1024x128xf32> to vector<1024x32xf32>
    %neg3A_292 = arith.constant 0.000000e+00 : f32
    %neg3A_293 = vector.broadcast %neg3A_292 : f32 to vector<1024x32xf32>
    %neg3A_294 = arith.subf %neg3A_293, %slice3A_291 : vector<1024x32xf32>
    %slice3A_295 = vector.extract_strided_slice %slice3A_285 {offsets = [0, 64], sizes = [1024, 32], strides = [1, 1]} : vector<1024x128xf32> to vector<1024x32xf32>
    %concatenate3A_296 = tpu.concatenate %neg3A_289, %slice3A_290, %neg3A_294, %slice3A_295 in 1 : vector<1024x32xf32>, vector<1024x32xf32>, vector<1024x32xf32>, vector<1024x32xf32> -> vector<1024x128xf32>
    %mul3A_297 = arith.mulf %slice3A_285, %concatenate3A : vector<1024x128xf32>
    %mul3A_298 = arith.mulf %concatenate3A_296, %concatenate3A_11 : vector<1024x128xf32>
    %add3A_299 = arith.addf %mul3A_297, %mul3A_298 : vector<1024x128xf32>
    %swap3A_300 = arith.constant 4 : index
    %swap3A_301 = arith.constant 0 : index
    %swap3A_302 = arith.constant 0 : index
    %swap3A_303 = vector.load %arg10[%swap3A_300, %swap3A_301, %swap3A_302] : memref<8x1024x128xf32, #tpu.memory_space<vmem>>, vector<1x1024x128xf32>
    %swap3A_304 = vector.shape_cast %swap3A_303 : vector<1x1024x128xf32> to vector<1024x128xf32>
    %swap3A_305 = vector.shape_cast %add3A_299 : vector<1024x128xf32> to vector<1x1024x128xf32>
    tpu.vector_store %arg10[%swap3A_300, %swap3A_301, %swap3A_302], %swap3A_305 {strides = array<i32>} : memref<8x1024x128xf32, #tpu.memory_space<vmem>>, vector<1x1024x128xf32>,
    %slice3A_306 = vector.extract_strided_slice %select_n3A_200 {offsets = [0, 640], sizes = [1024, 128], strides = [1, 1]} : vector<1024x1024xf32> to vector<1024x128xf32>
    %slice3A_307 = vector.extract_strided_slice %slice3A_306 {offsets = [0, 32], sizes = [1024, 32], strides = [1, 1]} : vector<1024x128xf32> to vector<1024x32xf32>
    %neg3A_308 = arith.constant 0.000000e+00 : f32
    %neg3A_309 = vector.broadcast %neg3A_308 : f32 to vector<1024x32xf32>
    %neg3A_310 = arith.subf %neg3A_309, %slice3A_307 : vector<1024x32xf32>
    %slice3A_311 = vector.extract_strided_slice %slice3A_306 {offsets = [0, 0], sizes = [1024, 32], strides = [1, 1]} : vector<1024x128xf32> to vector<1024x32xf32>
    %slice3A_312 = vector.extract_strided_slice %slice3A_306 {offsets = [0, 96], sizes = [1024, 32], strides = [1, 1]} : vector<1024x128xf32> to vector<1024x32xf32>
    %neg3A_313 = arith.constant 0.000000e+00 : f32
    %neg3A_314 = vector.broadcast %neg3A_313 : f32 to vector<1024x32xf32>
    %neg3A_315 = arith.subf %neg3A_314, %slice3A_312 : vector<1024x32xf32>
    %slice3A_316 = vector.extract_strided_slice %slice3A_306 {offsets = [0, 64], sizes = [1024, 32], strides = [1, 1]} : vector<1024x128xf32> to vector<1024x32xf32>
    %concatenate3A_317 = tpu.concatenate %neg3A_310, %slice3A_311, %neg3A_315, %slice3A_316 in 1 : vector<1024x32xf32>, vector<1024x32xf32>, vector<1024x32xf32>, vector<1024x32xf32> -> vector<1024x128xf32>
    %mul3A_318 = arith.mulf %slice3A_306, %concatenate3A : vector<1024x128xf32>
    %mul3A_319 = arith.mulf %concatenate3A_317, %concatenate3A_11 : vector<1024x128xf32>
    %add3A_320 = arith.addf %mul3A_318, %mul3A_319 : vector<1024x128xf32>
    %swap3A_321 = arith.constant 5 : index
    %swap3A_322 = arith.constant 0 : index
    %swap3A_323 = arith.constant 0 : index
    %swap3A_324 = vector.load %arg10[%swap3A_321, %swap3A_322, %swap3A_323] : memref<8x1024x128xf32, #tpu.memory_space<vmem>>, vector<1x1024x128xf32>
    %swap3A_325 = vector.shape_cast %swap3A_324 : vector<1x1024x128xf32> to vector<1024x128xf32>
    %swap3A_326 = vector.shape_cast %add3A_320 : vector<1024x128xf32> to vector<1x1024x128xf32>
    tpu.vector_store %arg10[%swap3A_321, %swap3A_322, %swap3A_323], %swap3A_326 {strides = array<i32>} : memref<8x1024x128xf32, #tpu.memory_space<vmem>>, vector<1x1024x128xf32>,
    %slice3A_327 = vector.extract_strided_slice %select_n3A_200 {offsets = [0, 768], sizes = [1024, 128], strides = [1, 1]} : vector<1024x1024xf32> to vector<1024x128xf32>
    %slice3A_328 = vector.extract_strided_slice %slice3A_327 {offsets = [0, 32], sizes = [1024, 32], strides = [1, 1]} : vector<1024x128xf32> to vector<1024x32xf32>
    %neg3A_329 = arith.constant 0.000000e+00 : f32
    %neg3A_330 = vector.broadcast %neg3A_329 : f32 to vector<1024x32xf32>
    %neg3A_331 = arith.subf %neg3A_330, %slice3A_328 : vector<1024x32xf32>
    %slice3A_332 = vector.extract_strided_slice %slice3A_327 {offsets = [0, 0], sizes = [1024, 32], strides = [1, 1]} : vector<1024x128xf32> to vector<1024x32xf32>
    %slice3A_333 = vector.extract_strided_slice %slice3A_327 {offsets = [0, 96], sizes = [1024, 32], strides = [1, 1]} : vector<1024x128xf32> to vector<1024x32xf32>
    %neg3A_334 = arith.constant 0.000000e+00 : f32
    %neg3A_335 = vector.broadcast %neg3A_334 : f32 to vector<1024x32xf32>
    %neg3A_336 = arith.subf %neg3A_335, %slice3A_333 : vector<1024x32xf32>
    %slice3A_337 = vector.extract_strided_slice %slice3A_327 {offsets = [0, 64], sizes = [1024, 32], strides = [1, 1]} : vector<1024x128xf32> to vector<1024x32xf32>
    %concatenate3A_338 = tpu.concatenate %neg3A_331, %slice3A_332, %neg3A_336, %slice3A_337 in 1 : vector<1024x32xf32>, vector<1024x32xf32>, vector<1024x32xf32>, vector<1024x32xf32> -> vector<1024x128xf32>
    %mul3A_339 = arith.mulf %slice3A_327, %concatenate3A : vector<1024x128xf32>
    %mul3A_340 = arith.mulf %concatenate3A_338, %concatenate3A_11 : vector<1024x128xf32>
    %add3A_341 = arith.addf %mul3A_339, %mul3A_340 : vector<1024x128xf32>
    %swap3A_342 = arith.constant 6 : index
    %swap3A_343 = arith.constant 0 : index
    %swap3A_344 = arith.constant 0 : index
    %swap3A_345 = vector.load %arg10[%swap3A_342, %swap3A_343, %swap3A_344] : memref<8x1024x128xf32, #tpu.memory_space<vmem>>, vector<1x1024x128xf32>
    %swap3A_346 = vector.shape_cast %swap3A_345 : vector<1x1024x128xf32> to vector<1024x128xf32>
    %swap3A_347 = vector.shape_cast %add3A_341 : vector<1024x128xf32> to vector<1x1024x128xf32>
    tpu.vector_store %arg10[%swap3A_342, %swap3A_343, %swap3A_344], %swap3A_347 {strides = array<i32>} : memref<8x1024x128xf32, #tpu.memory_space<vmem>>, vector<1x1024x128xf32>,
    %slice3A_348 = vector.extract_strided_slice %select_n3A_200 {offsets = [0, 896], sizes = [1024, 128], strides = [1, 1]} : vector<1024x1024xf32> to vector<1024x128xf32>
    %slice3A_349 = vector.extract_strided_slice %slice3A_348 {offsets = [0, 32], sizes = [1024, 32], strides = [1, 1]} : vector<1024x128xf32> to vector<1024x32xf32>
    %neg3A_350 = arith.constant 0.000000e+00 : f32
    %neg3A_351 = vector.broadcast %neg3A_350 : f32 to vector<1024x32xf32>
    %neg3A_352 = arith.subf %neg3A_351, %slice3A_349 : vector<1024x32xf32>
    %slice3A_353 = vector.extract_strided_slice %slice3A_348 {offsets = [0, 0], sizes = [1024, 32], strides = [1, 1]} : vector<1024x128xf32> to vector<1024x32xf32>
    %slice3A_354 = vector.extract_strided_slice %slice3A_348 {offsets = [0, 96], sizes = [1024, 32], strides = [1, 1]} : vector<1024x128xf32> to vector<1024x32xf32>
    %neg3A_355 = arith.constant 0.000000e+00 : f32
    %neg3A_356 = vector.broadcast %neg3A_355 : f32 to vector<1024x32xf32>
    %neg3A_357 = arith.subf %neg3A_356, %slice3A_354 : vector<1024x32xf32>
    %slice3A_358 = vector.extract_strided_slice %slice3A_348 {offsets = [0, 64], sizes = [1024, 32], strides = [1, 1]} : vector<1024x128xf32> to vector<1024x32xf32>
    %concatenate3A_359 = tpu.concatenate %neg3A_352, %slice3A_353, %neg3A_357, %slice3A_358 in 1 : vector<1024x32xf32>, vector<1024x32xf32>, vector<1024x32xf32>, vector<1024x32xf32> -> vector<1024x128xf32>
    %mul3A_360 = arith.mulf %slice3A_348, %concatenate3A : vector<1024x128xf32>
    %mul3A_361 = arith.mulf %concatenate3A_359, %concatenate3A_11 : vector<1024x128xf32>
    %add3A_362 = arith.addf %mul3A_360, %mul3A_361 : vector<1024x128xf32>
    %swap3A_363 = arith.constant 7 : index
    %swap3A_364 = arith.constant 0 : index
    %swap3A_365 = arith.constant 0 : index
    %swap3A_366 = vector.load %arg10[%swap3A_363, %swap3A_364, %swap3A_365] : memref<8x1024x128xf32, #tpu.memory_space<vmem>>, vector<1x1024x128xf32>
    %swap3A_367 = vector.shape_cast %swap3A_366 : vector<1x1024x128xf32> to vector<1024x128xf32>
    %swap3A_368 = vector.shape_cast %add3A_362 : vector<1024x128xf32> to vector<1x1024x128xf32>
    tpu.vector_store %arg10[%swap3A_363, %swap3A_364, %swap3A_365], %swap3A_368 {strides = array<i32>} : memref<8x1024x128xf32, #tpu.memory_space<vmem>>, vector<1x1024x128xf32>,
    %get3A_369 = arith.constant 0 : index
    %get3A_370 = arith.constant 0 : index
    %get3A_371 = arith.constant 0 : index
    %get3A_372 = vector.load %arg1[%get3A_369, %get3A_370, %get3A_371] : memref<1x1024x1024xf32, #tpu.memory_space<vmem>>, vector<1x1024x1024xf32>
    %get3A_373 = vector.shape_cast %get3A_372 : vector<1x1024x1024xf32> to vector<1024x1024xf32>
    %get3A_374 = arith.constant 0 : index
    %get3A_375 = arith.constant 0 : index
    %get3A_376 = vector.load %arg4[%get3A_374, %get3A_375] : memref<1024x1024xf32, #tpu.memory_space<vmem>>, vector<1024x1024xf32>
    %dot_general3A_377 = arith.constant dense<0.000000e+00> : vector<1024x1024xf32>
    %dot_general3A_378 = tpu.matmul %get3A_373, %get3A_376, %dot_general3A_377 {dimension_numbers = #tpu.dot_dimension_numbers<[1], [0], [0], [1], [0, 0, 1, 1], [], []>, transpose_lhs_hint = false} : vector<1024x1024xf32>, vector<1024x1024xf32>, vector<1024x1024xf32> -> vector<1024x1024xf32>
    %jit3A_379 = arith.constant 0.000000e+00 : f32
    %broadcast_in_dim3A_380 = vector.shape_cast %lt3A_4 : vector<1024x1xi1> to vector<1024x1xi1>
    %broadcast_in_dim3A_381 = vector.broadcast %broadcast_in_dim3A_380 : vector<1024x1xi1> to vector<1024x1024xi1>
    %broadcast_in_dim3A_382 = vector.broadcast %jit3A_379 : f32 to vector<1024x1024xf32>
    %select_n3A_383 = arith.select %broadcast_in_dim3A_381, %dot_general3A_378, %broadcast_in_dim3A_382 : vector<1024x1024xi1>, vector<1024x1024xf32>
    %slice3A_384 = vector.extract_strided_slice %select_n3A_383 {offsets = [0, 0], sizes = [1024, 128], strides = [1, 1]} : vector<1024x1024xf32> to vector<1024x128xf32>
    %swap3A_385 = arith.constant 0 : index
    %swap3A_386 = arith.constant 0 : index
    %swap3A_387 = arith.constant 0 : index
    %swap3A_388 = vector.load %arg11[%swap3A_385, %swap3A_386, %swap3A_387] : memref<8x1024x128xf32, #tpu.memory_space<vmem>>, vector<1x1024x128xf32>
    %swap3A_389 = vector.shape_cast %swap3A_388 : vector<1x1024x128xf32> to vector<1024x128xf32>
    %swap3A_390 = vector.shape_cast %slice3A_384 : vector<1024x128xf32> to vector<1x1024x128xf32>
    tpu.vector_store %arg11[%swap3A_385, %swap3A_386, %swap3A_387], %swap3A_390 {strides = array<i32>} : memref<8x1024x128xf32, #tpu.memory_space<vmem>>, vector<1x1024x128xf32>,
    %slice3A_391 = vector.extract_strided_slice %select_n3A_383 {offsets = [0, 128], sizes = [1024, 128], strides = [1, 1]} : vector<1024x1024xf32> to vector<1024x128xf32>
    %swap3A_392 = arith.constant 1 : index
    %swap3A_393 = arith.constant 0 : index
    %swap3A_394 = arith.constant 0 : index
    %swap3A_395 = vector.load %arg11[%swap3A_392, %swap3A_393, %swap3A_394] : memref<8x1024x128xf32, #tpu.memory_space<vmem>>, vector<1x1024x128xf32>
    %swap3A_396 = vector.shape_cast %swap3A_395 : vector<1x1024x128xf32> to vector<1024x128xf32>
    %swap3A_397 = vector.shape_cast %slice3A_391 : vector<1024x128xf32> to vector<1x1024x128xf32>
    tpu.vector_store %arg11[%swap3A_392, %swap3A_393, %swap3A_394], %swap3A_397 {strides = array<i32>} : memref<8x1024x128xf32, #tpu.memory_space<vmem>>, vector<1x1024x128xf32>,
    %slice3A_398 = vector.extract_strided_slice %select_n3A_383 {offsets = [0, 256], sizes = [1024, 128], strides = [1, 1]} : vector<1024x1024xf32> to vector<1024x128xf32>
    %swap3A_399 = arith.constant 2 : index
    %swap3A_400 = arith.constant 0 : index
    %swap3A_401 = arith.constant 0 : index
    %swap3A_402 = vector.load %arg11[%swap3A_399, %swap3A_400, %swap3A_401] : memref<8x1024x128xf32, #tpu.memory_space<vmem>>, vector<1x1024x128xf32>
    %swap3A_403 = vector.shape_cast %swap3A_402 : vector<1x1024x128xf32> to vector<1024x128xf32>
    %swap3A_404 = vector.shape_cast %slice3A_398 : vector<1024x128xf32> to vector<1x1024x128xf32>
    tpu.vector_store %arg11[%swap3A_399, %swap3A_400, %swap3A_401], %swap3A_404 {strides = array<i32>} : memref<8x1024x128xf32, #tpu.memory_space<vmem>>, vector<1x1024x128xf32>,
    %slice3A_405 = vector.extract_strided_slice %select_n3A_383 {offsets = [0, 384], sizes = [1024, 128], strides = [1, 1]} : vector<1024x1024xf32> to vector<1024x128xf32>
    %swap3A_406 = arith.constant 3 : index
    %swap3A_407 = arith.constant 0 : index
    %swap3A_408 = arith.constant 0 : index
    %swap3A_409 = vector.load %arg11[%swap3A_406, %swap3A_407, %swap3A_408] : memref<8x1024x128xf32, #tpu.memory_space<vmem>>, vector<1x1024x128xf32>
    %swap3A_410 = vector.shape_cast %swap3A_409 : vector<1x1024x128xf32> to vector<1024x128xf32>
    %swap3A_411 = vector.shape_cast %slice3A_405 : vector<1024x128xf32> to vector<1x1024x128xf32>
    tpu.vector_store %arg11[%swap3A_406, %swap3A_407, %swap3A_408], %swap3A_411 {strides = array<i32>} : memref<8x1024x128xf32, #tpu.memory_space<vmem>>, vector<1x1024x128xf32>,
    %slice3A_412 = vector.extract_strided_slice %select_n3A_383 {offsets = [0, 512], sizes = [1024, 128], strides = [1, 1]} : vector<1024x1024xf32> to vector<1024x128xf32>
    %swap3A_413 = arith.constant 4 : index
    %swap3A_414 = arith.constant 0 : index
    %swap3A_415 = arith.constant 0 : index
    %swap3A_416 = vector.load %arg11[%swap3A_413, %swap3A_414, %swap3A_415] : memref<8x1024x128xf32, #tpu.memory_space<vmem>>, vector<1x1024x128xf32>
    %swap3A_417 = vector.shape_cast %swap3A_416 : vector<1x1024x128xf32> to vector<1024x128xf32>
    %swap3A_418 = vector.shape_cast %slice3A_412 : vector<1024x128xf32> to vector<1x1024x128xf32>
    tpu.vector_store %arg11[%swap3A_413, %swap3A_414, %swap3A_415], %swap3A_418 {strides = array<i32>} : memref<8x1024x128xf32, #tpu.memory_space<vmem>>, vector<1x1024x128xf32>,
    %slice3A_419 = vector.extract_strided_slice %select_n3A_383 {offsets = [0, 640], sizes = [1024, 128], strides = [1, 1]} : vector<1024x1024xf32> to vector<1024x128xf32>
    %swap3A_420 = arith.constant 5 : index
    %swap3A_421 = arith.constant 0 : index
    %swap3A_422 = arith.constant 0 : index
    %swap3A_423 = vector.load %arg11[%swap3A_420, %swap3A_421, %swap3A_422] : memref<8x1024x128xf32, #tpu.memory_space<vmem>>, vector<1x1024x128xf32>
    %swap3A_424 = vector.shape_cast %swap3A_423 : vector<1x1024x128xf32> to vector<1024x128xf32>
    %swap3A_425 = vector.shape_cast %slice3A_419 : vector<1024x128xf32> to vector<1x1024x128xf32>
    tpu.vector_store %arg11[%swap3A_420, %swap3A_421, %swap3A_422], %swap3A_425 {strides = array<i32>} : memref<8x1024x128xf32, #tpu.memory_space<vmem>>, vector<1x1024x128xf32>,
    %slice3A_426 = vector.extract_strided_slice %select_n3A_383 {offsets = [0, 768], sizes = [1024, 128], strides = [1, 1]} : vector<1024x1024xf32> to vector<1024x128xf32>
    %swap3A_427 = arith.constant 6 : index
    %swap3A_428 = arith.constant 0 : index
    %swap3A_429 = arith.constant 0 : index
    %swap3A_430 = vector.load %arg11[%swap3A_427, %swap3A_428, %swap3A_429] : memref<8x1024x128xf32, #tpu.memory_space<vmem>>, vector<1x1024x128xf32>
    %swap3A_431 = vector.shape_cast %swap3A_430 : vector<1x1024x128xf32> to vector<1024x128xf32>
    %swap3A_432 = vector.shape_cast %slice3A_426 : vector<1024x128xf32> to vector<1x1024x128xf32>
    tpu.vector_store %arg11[%swap3A_427, %swap3A_428, %swap3A_429], %swap3A_432 {strides = array<i32>} : memref<8x1024x128xf32, #tpu.memory_space<vmem>>, vector<1x1024x128xf32>,
    %slice3A_433 = vector.extract_strided_slice %select_n3A_383 {offsets = [0, 896], sizes = [1024, 128], strides = [1, 1]} : vector<1024x1024xf32> to vector<1024x128xf32>
    %swap3A_434 = arith.constant 7 : index
    %swap3A_435 = arith.constant 0 : index
    %swap3A_436 = arith.constant 0 : index
    %swap3A_437 = vector.load %arg11[%swap3A_434, %swap3A_435, %swap3A_436] : memref<8x1024x128xf32, #tpu.memory_space<vmem>>, vector<1x1024x128xf32>
    %swap3A_438 = vector.shape_cast %swap3A_437 : vector<1x1024x128xf32> to vector<1024x128xf32>
    %swap3A_439 = vector.shape_cast %slice3A_433 : vector<1024x128xf32> to vector<1x1024x128xf32>
    tpu.vector_store %arg11[%swap3A_434, %swap3A_435, %swap3A_436], %swap3A_439 {strides = array<i32>} : memref<8x1024x128xf32, #tpu.memory_space<vmem>>, vector<1x1024x128xf32>,
    %scan3A = arith.constant 0 : i32
    %scan3A_440 = arith.constant 8 : i32
    %scan3A_441 = arith.addi %scan3A, %scan3A_440 : i32
    %scan3A_442 = arith.constant 1 : i32
    scf.for %scan3A_532 = %scan3A to %scan3A_441 step %scan3A_442  : i32 {
      %get3A_533 = arith.index_cast %scan3A_532 : i32 to index
      %get3A_534 = arith.constant 0 : index
      %get3A_535 = arith.constant 0 : index
      %get3A_536 = vector.load %arg9[%get3A_533, %get3A_534, %get3A_535] : memref<8x1024x128xf32, #tpu.memory_space<vmem>>, vector<1x1024x128xf32>
      %get3A_537 = vector.shape_cast %get3A_536 : vector<1x1024x128xf32> to vector<1024x128xf32>
      %get3A_538 = arith.index_cast %scan3A_532 : i32 to index
      %get3A_539 = arith.constant 0 : index
      %get3A_540 = arith.constant 0 : index
      %get3A_541 = vector.load %arg10[%get3A_538, %get3A_539, %get3A_540] : memref<8x1024x128xf32, #tpu.memory_space<vmem>>, vector<1x1024x128xf32>
      %get3A_542 = vector.shape_cast %get3A_541 : vector<1x1024x128xf32> to vector<1024x128xf32>
      %get3A_543 = arith.index_cast %scan3A_532 : i32 to index
      %get3A_544 = arith.constant 0 : index
      %get3A_545 = arith.constant 0 : index
      %get3A_546 = vector.load %arg11[%get3A_543, %get3A_544, %get3A_545] : memref<8x1024x128xf32, #tpu.memory_space<vmem>>, vector<1x1024x128xf32>
      %get3A_547 = vector.shape_cast %get3A_546 : vector<1x1024x128xf32> to vector<1024x128xf32>
      %iota3A_548 = tpu.iota {dimensions = array<i32: 1>} : vector<256x256xi32>
      %iota3A_549 = tpu.iota {dimensions = array<i32: 0>} : vector<256x256xi32>
      %add3A_550 = arith.constant 0 : i32
      %add3A_551 = vector.broadcast %add3A_550 : i32 to vector<256x256xi32>
      %add3A_552 = arith.addi %iota3A_549, %add3A_551 : vector<256x256xi32>
      %le3A = arith.cmpi sle, %iota3A_548, %add3A_552 : vector<256x256xi32>
      %lt3A_553 = vector.broadcast %convert_element_type3A : vector<1x1xi32> to vector<256x256xi32>
      %lt3A_554 = arith.cmpi slt, %iota3A_548, %lt3A_553 : vector<256x256xi32>
      %and3A = arith.andi %le3A, %lt3A_554 : vector<256x256xi1>
      %slice3A_555 = vector.extract_strided_slice %get3A_537 {offsets = [0, 0], sizes = [256, 64], strides = [1, 1]} : vector<1024x128xf32> to vector<256x64xf32>
      %slice3A_556 = vector.extract_strided_slice %get3A_542 {offsets = [0, 0], sizes = [256, 64], strides = [1, 1]} : vector<1024x128xf32> to vector<256x64xf32>
      %dot_general3A_557 = arith.constant dense<0.000000e+00> : vector<256x256xf32>
      %dot_general3A_558 = tpu.matmul %slice3A_555, %slice3A_556, %dot_general3A_557 {dimension_numbers = #tpu.dot_dimension_numbers<[1], [1], [0], [0], [0, 0, 1, 0], [], []>, transpose_lhs_hint = false} : vector<256x64xf32>, vector<256x64xf32>, vector<256x256xf32> -> vector<256x256xf32>
      %mul3A_559 = arith.constant 1.250000e-01 : f32
      %mul3A_560 = vector.broadcast %mul3A_559 : f32 to vector<256x256xf32>
      %mul3A_561 = arith.mulf %dot_general3A_558, %mul3A_560 : vector<256x256xf32>
      %jit3A_562 = arith.constant -1.000000e+09 : f32
      %broadcast_in_dim3A_563 = vector.broadcast %jit3A_562 : f32 to vector<256x256xf32>
      %select_n3A_564 = arith.select %and3A, %mul3A_561, %broadcast_in_dim3A_563 : vector<256x256xi1>, vector<256x256xf32>
      %reduce_max3A = arith.constant dense<0xFF800000> : vector<256xf32>
      %reduce_max3A_565 = vector.multi_reduction <maximumf>, %select_n3A_564, %reduce_max3A [1] : vector<256x256xf32> to vector<256xf32>
      %broadcast_in_dim3A_566 = vector.shape_cast %reduce_max3A_565 : vector<256xf32> to vector<256x1xf32>
      %sub3A = vector.broadcast %broadcast_in_dim3A_566 : vector<256x1xf32> to vector<256x256xf32>
      %sub3A_567 = arith.subf %select_n3A_564, %sub3A : vector<256x256xf32>
      %exp3A = math.exp %sub3A_567 : vector<256x256xf32>
      %reduce_sum3A = arith.constant dense<0.000000e+00> : vector<256xf32>
      %reduce_sum3A_568 = vector.multi_reduction <add>, %exp3A, %reduce_sum3A [1] : vector<256x256xf32> to vector<256xf32>
      %broadcast_in_dim3A_569 = vector.shape_cast %reduce_sum3A_568 : vector<256xf32> to vector<256x1xf32>
      %div3A = vector.broadcast %broadcast_in_dim3A_569 : vector<256x1xf32> to vector<256x256xf32>
      %div3A_570 = arith.divf %exp3A, %div3A : vector<256x256xf32>
      %slice3A_571 = vector.extract_strided_slice %get3A_547 {offsets = [0, 0], sizes = [256, 64], strides = [1, 1]} : vector<1024x128xf32> to vector<256x64xf32>
      %dot_general3A_572 = arith.constant dense<0.000000e+00> : vector<256x64xf32>
      %dot_general3A_573 = tpu.matmul %div3A_570, %slice3A_571, %dot_general3A_572 {dimension_numbers = #tpu.dot_dimension_numbers<[1], [0], [0], [1], [0, 0, 1, 1], [], []>, transpose_lhs_hint = false} : vector<256x256xf32>, vector<256x64xf32>, vector<256x64xf32> -> vector<256x64xf32>
      %slice3A_574 = vector.extract_strided_slice %get3A_537 {offsets = [0, 64], sizes = [256, 64], strides = [1, 1]} : vector<1024x128xf32> to vector<256x64xf32>
      %slice3A_575 = vector.extract_strided_slice %get3A_542 {offsets = [0, 64], sizes = [256, 64], strides = [1, 1]} : vector<1024x128xf32> to vector<256x64xf32>
      %dot_general3A_576 = arith.constant dense<0.000000e+00> : vector<256x256xf32>
      %dot_general3A_577 = tpu.matmul %slice3A_574, %slice3A_575, %dot_general3A_576 {dimension_numbers = #tpu.dot_dimension_numbers<[1], [1], [0], [0], [0, 0, 1, 0], [], []>, transpose_lhs_hint = false} : vector<256x64xf32>, vector<256x64xf32>, vector<256x256xf32> -> vector<256x256xf32>
      %mul3A_578 = arith.constant 1.250000e-01 : f32
      %mul3A_579 = vector.broadcast %mul3A_578 : f32 to vector<256x256xf32>
      %mul3A_580 = arith.mulf %dot_general3A_577, %mul3A_579 : vector<256x256xf32>
      %jit3A_581 = arith.constant -1.000000e+09 : f32
      %broadcast_in_dim3A_582 = vector.broadcast %jit3A_581 : f32 to vector<256x256xf32>
      %select_n3A_583 = arith.select %and3A, %mul3A_580, %broadcast_in_dim3A_582 : vector<256x256xi1>, vector<256x256xf32>
      %reduce_max3A_584 = arith.constant dense<0xFF800000> : vector<256xf32>
      %reduce_max3A_585 = vector.multi_reduction <maximumf>, %select_n3A_583, %reduce_max3A_584 [1] : vector<256x256xf32> to vector<256xf32>
      %broadcast_in_dim3A_586 = vector.shape_cast %reduce_max3A_585 : vector<256xf32> to vector<256x1xf32>
      %sub3A_587 = vector.broadcast %broadcast_in_dim3A_586 : vector<256x1xf32> to vector<256x256xf32>
      %sub3A_588 = arith.subf %select_n3A_583, %sub3A_587 : vector<256x256xf32>
      %exp3A_589 = math.exp %sub3A_588 : vector<256x256xf32>
      %reduce_sum3A_590 = arith.constant dense<0.000000e+00> : vector<256xf32>
      %reduce_sum3A_591 = vector.multi_reduction <add>, %exp3A_589, %reduce_sum3A_590 [1] : vector<256x256xf32> to vector<256xf32>
      %broadcast_in_dim3A_592 = vector.shape_cast %reduce_sum3A_591 : vector<256xf32> to vector<256x1xf32>
      %div3A_593 = vector.broadcast %broadcast_in_dim3A_592 : vector<256x1xf32> to vector<256x256xf32>
      %div3A_594 = arith.divf %exp3A_589, %div3A_593 : vector<256x256xf32>
      %slice3A_595 = vector.extract_strided_slice %get3A_547 {offsets = [0, 64], sizes = [256, 64], strides = [1, 1]} : vector<1024x128xf32> to vector<256x64xf32>
      %dot_general3A_596 = arith.constant dense<0.000000e+00> : vector<256x64xf32>
      %dot_general3A_597 = tpu.matmul %div3A_594, %slice3A_595, %dot_general3A_596 {dimension_numbers = #tpu.dot_dimension_numbers<[1], [0], [0], [1], [0, 0, 1, 1], [], []>, transpose_lhs_hint = false} : vector<256x256xf32>, vector<256x64xf32>, vector<256x64xf32> -> vector<256x64xf32>
      %concatenate3A_598 = tpu.concatenate %dot_general3A_573, %dot_general3A_597 in 1 : vector<256x64xf32>, vector<256x64xf32> -> vector<256x128xf32>
      %swap3A_599 = arith.index_cast %scan3A_532 : i32 to index
      %swap3A_600 = arith.constant 0 : index
      %swap3A_601 = arith.constant 0 : index
      %swap3A_602 = vector.load %arg12[%swap3A_599, %swap3A_600, %swap3A_601] : memref<8x1024x128xf32, #tpu.memory_space<vmem>>, vector<1x256x128xf32>
      %swap3A_603 = vector.shape_cast %swap3A_602 : vector<1x256x128xf32> to vector<256x128xf32>
      %swap3A_604 = vector.shape_cast %concatenate3A_598 : vector<256x128xf32> to vector<1x256x128xf32>
      tpu.vector_store %arg12[%swap3A_599, %swap3A_600, %swap3A_601], %swap3A_604 {strides = array<i32>} : memref<8x1024x128xf32, #tpu.memory_space<vmem>>, vector<1x256x128xf32>,
      %iota3A_605 = tpu.iota {dimensions = array<i32: 1>} : vector<256x512xi32>
      %iota3A_606 = tpu.iota {dimensions = array<i32: 0>} : vector<256x512xi32>
      %add3A_607 = arith.constant 256 : i32
      %add3A_608 = vector.broadcast %add3A_607 : i32 to vector<256x512xi32>
      %add3A_609 = arith.addi %iota3A_606, %add3A_608 : vector<256x512xi32>
      %le3A_610 = arith.cmpi sle, %iota3A_605, %add3A_609 : vector<256x512xi32>
      %lt3A_611 = vector.broadcast %convert_element_type3A : vector<1x1xi32> to vector<256x512xi32>
      %lt3A_612 = arith.cmpi slt, %iota3A_605, %lt3A_611 : vector<256x512xi32>
      %and3A_613 = arith.andi %le3A_610, %lt3A_612 : vector<256x512xi1>
      %slice3A_614 = vector.extract_strided_slice %get3A_537 {offsets = [256, 0], sizes = [256, 64], strides = [1, 1]} : vector<1024x128xf32> to vector<256x64xf32>
      %slice3A_615 = vector.extract_strided_slice %get3A_542 {offsets = [0, 0], sizes = [512, 64], strides = [1, 1]} : vector<1024x128xf32> to vector<512x64xf32>
      %dot_general3A_616 = arith.constant dense<0.000000e+00> : vector<256x512xf32>
      %dot_general3A_617 = tpu.matmul %slice3A_614, %slice3A_615, %dot_general3A_616 {dimension_numbers = #tpu.dot_dimension_numbers<[1], [1], [0], [0], [0, 0, 1, 0], [], []>, transpose_lhs_hint = false} : vector<256x64xf32>, vector<512x64xf32>, vector<256x512xf32> -> vector<256x512xf32>
      %mul3A_618 = arith.constant 1.250000e-01 : f32
      %mul3A_619 = vector.broadcast %mul3A_618 : f32 to vector<256x512xf32>
      %mul3A_620 = arith.mulf %dot_general3A_617, %mul3A_619 : vector<256x512xf32>
      %jit3A_621 = arith.constant -1.000000e+09 : f32
      %broadcast_in_dim3A_622 = vector.broadcast %jit3A_621 : f32 to vector<256x512xf32>
      %select_n3A_623 = arith.select %and3A_613, %mul3A_620, %broadcast_in_dim3A_622 : vector<256x512xi1>, vector<256x512xf32>
      %reduce_max3A_624 = arith.constant dense<0xFF800000> : vector<256xf32>
      %reduce_max3A_625 = vector.multi_reduction <maximumf>, %select_n3A_623, %reduce_max3A_624 [1] : vector<256x512xf32> to vector<256xf32>
      %broadcast_in_dim3A_626 = vector.shape_cast %reduce_max3A_625 : vector<256xf32> to vector<256x1xf32>
      %sub3A_627 = vector.broadcast %broadcast_in_dim3A_626 : vector<256x1xf32> to vector<256x512xf32>
      %sub3A_628 = arith.subf %select_n3A_623, %sub3A_627 : vector<256x512xf32>
      %exp3A_629 = math.exp %sub3A_628 : vector<256x512xf32>
      %reduce_sum3A_630 = arith.constant dense<0.000000e+00> : vector<256xf32>
      %reduce_sum3A_631 = vector.multi_reduction <add>, %exp3A_629, %reduce_sum3A_630 [1] : vector<256x512xf32> to vector<256xf32>
      %broadcast_in_dim3A_632 = vector.shape_cast %reduce_sum3A_631 : vector<256xf32> to vector<256x1xf32>
      %div3A_633 = vector.broadcast %broadcast_in_dim3A_632 : vector<256x1xf32> to vector<256x512xf32>
      %div3A_634 = arith.divf %exp3A_629, %div3A_633 : vector<256x512xf32>
      %slice3A_635 = vector.extract_strided_slice %get3A_547 {offsets = [0, 0], sizes = [512, 64], strides = [1, 1]} : vector<1024x128xf32> to vector<512x64xf32>
      %dot_general3A_636 = arith.constant dense<0.000000e+00> : vector<256x64xf32>
      %dot_general3A_637 = tpu.matmul %div3A_634, %slice3A_635, %dot_general3A_636 {dimension_numbers = #tpu.dot_dimension_numbers<[1], [0], [0], [1], [0, 0, 1, 1], [], []>, transpose_lhs_hint = false} : vector<256x512xf32>, vector<512x64xf32>, vector<256x64xf32> -> vector<256x64xf32>
      %slice3A_638 = vector.extract_strided_slice %get3A_537 {offsets = [256, 64], sizes = [256, 64], strides = [1, 1]} : vector<1024x128xf32> to vector<256x64xf32>
      %slice3A_639 = vector.extract_strided_slice %get3A_542 {offsets = [0, 64], sizes = [512, 64], strides = [1, 1]} : vector<1024x128xf32> to vector<512x64xf32>
      %dot_general3A_640 = arith.constant dense<0.000000e+00> : vector<256x512xf32>
      %dot_general3A_641 = tpu.matmul %slice3A_638, %slice3A_639, %dot_general3A_640 {dimension_numbers = #tpu.dot_dimension_numbers<[1], [1], [0], [0], [0, 0, 1, 0], [], []>, transpose_lhs_hint = false} : vector<256x64xf32>, vector<512x64xf32>, vector<256x512xf32> -> vector<256x512xf32>
      %mul3A_642 = arith.constant 1.250000e-01 : f32
      %mul3A_643 = vector.broadcast %mul3A_642 : f32 to vector<256x512xf32>
      %mul3A_644 = arith.mulf %dot_general3A_641, %mul3A_643 : vector<256x512xf32>
      %jit3A_645 = arith.constant -1.000000e+09 : f32
      %broadcast_in_dim3A_646 = vector.broadcast %jit3A_645 : f32 to vector<256x512xf32>
      %select_n3A_647 = arith.select %and3A_613, %mul3A_644, %broadcast_in_dim3A_646 : vector<256x512xi1>, vector<256x512xf32>
      %reduce_max3A_648 = arith.constant dense<0xFF800000> : vector<256xf32>
      %reduce_max3A_649 = vector.multi_reduction <maximumf>, %select_n3A_647, %reduce_max3A_648 [1] : vector<256x512xf32> to vector<256xf32>
      %broadcast_in_dim3A_650 = vector.shape_cast %reduce_max3A_649 : vector<256xf32> to vector<256x1xf32>
      %sub3A_651 = vector.broadcast %broadcast_in_dim3A_650 : vector<256x1xf32> to vector<256x512xf32>
      %sub3A_652 = arith.subf %select_n3A_647, %sub3A_651 : vector<256x512xf32>
      %exp3A_653 = math.exp %sub3A_652 : vector<256x512xf32>
      %reduce_sum3A_654 = arith.constant dense<0.000000e+00> : vector<256xf32>
      %reduce_sum3A_655 = vector.multi_reduction <add>, %exp3A_653, %reduce_sum3A_654 [1] : vector<256x512xf32> to vector<256xf32>
      %broadcast_in_dim3A_656 = vector.shape_cast %reduce_sum3A_655 : vector<256xf32> to vector<256x1xf32>
      %div3A_657 = vector.broadcast %broadcast_in_dim3A_656 : vector<256x1xf32> to vector<256x512xf32>
      %div3A_658 = arith.divf %exp3A_653, %div3A_657 : vector<256x512xf32>
      %slice3A_659 = vector.extract_strided_slice %get3A_547 {offsets = [0, 64], sizes = [512, 64], strides = [1, 1]} : vector<1024x128xf32> to vector<512x64xf32>
      %dot_general3A_660 = arith.constant dense<0.000000e+00> : vector<256x64xf32>
      %dot_general3A_661 = tpu.matmul %div3A_658, %slice3A_659, %dot_general3A_660 {dimension_numbers = #tpu.dot_dimension_numbers<[1], [0], [0], [1], [0, 0, 1, 1], [], []>, transpose_lhs_hint = false} : vector<256x512xf32>, vector<512x64xf32>, vector<256x64xf32> -> vector<256x64xf32>
      %concatenate3A_662 = tpu.concatenate %dot_general3A_637, %dot_general3A_661 in 1 : vector<256x64xf32>, vector<256x64xf32> -> vector<256x128xf32>
      %swap3A_663 = arith.index_cast %scan3A_532 : i32 to index
      %swap3A_664 = arith.constant 256 : index
      %swap3A_665 = arith.constant 0 : index
      %swap3A_666 = vector.load %arg12[%swap3A_663, %swap3A_664, %swap3A_665] : memref<8x1024x128xf32, #tpu.memory_space<vmem>>, vector<1x256x128xf32>
      %swap3A_667 = vector.shape_cast %swap3A_666 : vector<1x256x128xf32> to vector<256x128xf32>
      %swap3A_668 = vector.shape_cast %concatenate3A_662 : vector<256x128xf32> to vector<1x256x128xf32>
      tpu.vector_store %arg12[%swap3A_663, %swap3A_664, %swap3A_665], %swap3A_668 {strides = array<i32>} : memref<8x1024x128xf32, #tpu.memory_space<vmem>>, vector<1x256x128xf32>,
      %iota3A_669 = tpu.iota {dimensions = array<i32: 1>} : vector<256x768xi32>
      %iota3A_670 = tpu.iota {dimensions = array<i32: 0>} : vector<256x768xi32>
      %add3A_671 = arith.constant 512 : i32
      %add3A_672 = vector.broadcast %add3A_671 : i32 to vector<256x768xi32>
      %add3A_673 = arith.addi %iota3A_670, %add3A_672 : vector<256x768xi32>
      %le3A_674 = arith.cmpi sle, %iota3A_669, %add3A_673 : vector<256x768xi32>
      %lt3A_675 = vector.broadcast %convert_element_type3A : vector<1x1xi32> to vector<256x768xi32>
      %lt3A_676 = arith.cmpi slt, %iota3A_669, %lt3A_675 : vector<256x768xi32>
      %and3A_677 = arith.andi %le3A_674, %lt3A_676 : vector<256x768xi1>
      %slice3A_678 = vector.extract_strided_slice %get3A_537 {offsets = [512, 0], sizes = [256, 64], strides = [1, 1]} : vector<1024x128xf32> to vector<256x64xf32>
      %slice3A_679 = vector.extract_strided_slice %get3A_542 {offsets = [0, 0], sizes = [768, 64], strides = [1, 1]} : vector<1024x128xf32> to vector<768x64xf32>
      %dot_general3A_680 = arith.constant dense<0.000000e+00> : vector<256x768xf32>
      %dot_general3A_681 = tpu.matmul %slice3A_678, %slice3A_679, %dot_general3A_680 {dimension_numbers = #tpu.dot_dimension_numbers<[1], [1], [0], [0], [0, 0, 1, 0], [], []>, transpose_lhs_hint = false} : vector<256x64xf32>, vector<768x64xf32>, vector<256x768xf32> -> vector<256x768xf32>
      %mul3A_682 = arith.constant 1.250000e-01 : f32
      %mul3A_683 = vector.broadcast %mul3A_682 : f32 to vector<256x768xf32>
      %mul3A_684 = arith.mulf %dot_general3A_681, %mul3A_683 : vector<256x768xf32>
      %jit3A_685 = arith.constant -1.000000e+09 : f32
      %broadcast_in_dim3A_686 = vector.broadcast %jit3A_685 : f32 to vector<256x768xf32>
      %select_n3A_687 = arith.select %and3A_677, %mul3A_684, %broadcast_in_dim3A_686 : vector<256x768xi1>, vector<256x768xf32>
      %reduce_max3A_688 = arith.constant dense<0xFF800000> : vector<256xf32>
      %reduce_max3A_689 = vector.multi_reduction <maximumf>, %select_n3A_687, %reduce_max3A_688 [1] : vector<256x768xf32> to vector<256xf32>
      %broadcast_in_dim3A_690 = vector.shape_cast %reduce_max3A_689 : vector<256xf32> to vector<256x1xf32>
      %sub3A_691 = vector.broadcast %broadcast_in_dim3A_690 : vector<256x1xf32> to vector<256x768xf32>
      %sub3A_692 = arith.subf %select_n3A_687, %sub3A_691 : vector<256x768xf32>
      %exp3A_693 = math.exp %sub3A_692 : vector<256x768xf32>
      %reduce_sum3A_694 = arith.constant dense<0.000000e+00> : vector<256xf32>
      %reduce_sum3A_695 = vector.multi_reduction <add>, %exp3A_693, %reduce_sum3A_694 [1] : vector<256x768xf32> to vector<256xf32>
      %broadcast_in_dim3A_696 = vector.shape_cast %reduce_sum3A_695 : vector<256xf32> to vector<256x1xf32>
      %div3A_697 = vector.broadcast %broadcast_in_dim3A_696 : vector<256x1xf32> to vector<256x768xf32>
      %div3A_698 = arith.divf %exp3A_693, %div3A_697 : vector<256x768xf32>
      %slice3A_699 = vector.extract_strided_slice %get3A_547 {offsets = [0, 0], sizes = [768, 64], strides = [1, 1]} : vector<1024x128xf32> to vector<768x64xf32>
      %dot_general3A_700 = arith.constant dense<0.000000e+00> : vector<256x64xf32>
      %dot_general3A_701 = tpu.matmul %div3A_698, %slice3A_699, %dot_general3A_700 {dimension_numbers = #tpu.dot_dimension_numbers<[1], [0], [0], [1], [0, 0, 1, 1], [], []>, transpose_lhs_hint = false} : vector<256x768xf32>, vector<768x64xf32>, vector<256x64xf32> -> vector<256x64xf32>
      %slice3A_702 = vector.extract_strided_slice %get3A_537 {offsets = [512, 64], sizes = [256, 64], strides = [1, 1]} : vector<1024x128xf32> to vector<256x64xf32>
      %slice3A_703 = vector.extract_strided_slice %get3A_542 {offsets = [0, 64], sizes = [768, 64], strides = [1, 1]} : vector<1024x128xf32> to vector<768x64xf32>
      %dot_general3A_704 = arith.constant dense<0.000000e+00> : vector<256x768xf32>
      %dot_general3A_705 = tpu.matmul %slice3A_702, %slice3A_703, %dot_general3A_704 {dimension_numbers = #tpu.dot_dimension_numbers<[1], [1], [0], [0], [0, 0, 1, 0], [], []>, transpose_lhs_hint = false} : vector<256x64xf32>, vector<768x64xf32>, vector<256x768xf32> -> vector<256x768xf32>
      %mul3A_706 = arith.constant 1.250000e-01 : f32
      %mul3A_707 = vector.broadcast %mul3A_706 : f32 to vector<256x768xf32>
      %mul3A_708 = arith.mulf %dot_general3A_705, %mul3A_707 : vector<256x768xf32>
      %jit3A_709 = arith.constant -1.000000e+09 : f32
      %broadcast_in_dim3A_710 = vector.broadcast %jit3A_709 : f32 to vector<256x768xf32>
      %select_n3A_711 = arith.select %and3A_677, %mul3A_708, %broadcast_in_dim3A_710 : vector<256x768xi1>, vector<256x768xf32>
      %reduce_max3A_712 = arith.constant dense<0xFF800000> : vector<256xf32>
      %reduce_max3A_713 = vector.multi_reduction <maximumf>, %select_n3A_711, %reduce_max3A_712 [1] : vector<256x768xf32> to vector<256xf32>
      %broadcast_in_dim3A_714 = vector.shape_cast %reduce_max3A_713 : vector<256xf32> to vector<256x1xf32>
      %sub3A_715 = vector.broadcast %broadcast_in_dim3A_714 : vector<256x1xf32> to vector<256x768xf32>
      %sub3A_716 = arith.subf %select_n3A_711, %sub3A_715 : vector<256x768xf32>
      %exp3A_717 = math.exp %sub3A_716 : vector<256x768xf32>
      %reduce_sum3A_718 = arith.constant dense<0.000000e+00> : vector<256xf32>
      %reduce_sum3A_719 = vector.multi_reduction <add>, %exp3A_717, %reduce_sum3A_718 [1] : vector<256x768xf32> to vector<256xf32>
      %broadcast_in_dim3A_720 = vector.shape_cast %reduce_sum3A_719 : vector<256xf32> to vector<256x1xf32>
      %div3A_721 = vector.broadcast %broadcast_in_dim3A_720 : vector<256x1xf32> to vector<256x768xf32>
      %div3A_722 = arith.divf %exp3A_717, %div3A_721 : vector<256x768xf32>
      %slice3A_723 = vector.extract_strided_slice %get3A_547 {offsets = [0, 64], sizes = [768, 64], strides = [1, 1]} : vector<1024x128xf32> to vector<768x64xf32>
      %dot_general3A_724 = arith.constant dense<0.000000e+00> : vector<256x64xf32>
      %dot_general3A_725 = tpu.matmul %div3A_722, %slice3A_723, %dot_general3A_724 {dimension_numbers = #tpu.dot_dimension_numbers<[1], [0], [0], [1], [0, 0, 1, 1], [], []>, transpose_lhs_hint = false} : vector<256x768xf32>, vector<768x64xf32>, vector<256x64xf32> -> vector<256x64xf32>
      %concatenate3A_726 = tpu.concatenate %dot_general3A_701, %dot_general3A_725 in 1 : vector<256x64xf32>, vector<256x64xf32> -> vector<256x128xf32>
      %swap3A_727 = arith.index_cast %scan3A_532 : i32 to index
      %swap3A_728 = arith.constant 512 : index
      %swap3A_729 = arith.constant 0 : index
      %swap3A_730 = vector.load %arg12[%swap3A_727, %swap3A_728, %swap3A_729] : memref<8x1024x128xf32, #tpu.memory_space<vmem>>, vector<1x256x128xf32>
      %swap3A_731 = vector.shape_cast %swap3A_730 : vector<1x256x128xf32> to vector<256x128xf32>
      %swap3A_732 = vector.shape_cast %concatenate3A_726 : vector<256x128xf32> to vector<1x256x128xf32>
      tpu.vector_store %arg12[%swap3A_727, %swap3A_728, %swap3A_729], %swap3A_732 {strides = array<i32>} : memref<8x1024x128xf32, #tpu.memory_space<vmem>>, vector<1x256x128xf32>,
      %iota3A_733 = tpu.iota {dimensions = array<i32: 1>} : vector<256x1024xi32>
      %iota3A_734 = tpu.iota {dimensions = array<i32: 0>} : vector<256x1024xi32>
      %add3A_735 = arith.constant 768 : i32
      %add3A_736 = vector.broadcast %add3A_735 : i32 to vector<256x1024xi32>
      %add3A_737 = arith.addi %iota3A_734, %add3A_736 : vector<256x1024xi32>
      %le3A_738 = arith.cmpi sle, %iota3A_733, %add3A_737 : vector<256x1024xi32>
      %lt3A_739 = vector.broadcast %convert_element_type3A : vector<1x1xi32> to vector<256x1024xi32>
      %lt3A_740 = arith.cmpi slt, %iota3A_733, %lt3A_739 : vector<256x1024xi32>
      %and3A_741 = arith.andi %le3A_738, %lt3A_740 : vector<256x1024xi1>
      %slice3A_742 = vector.extract_strided_slice %get3A_537 {offsets = [768, 0], sizes = [256, 64], strides = [1, 1]} : vector<1024x128xf32> to vector<256x64xf32>
      %slice3A_743 = vector.extract_strided_slice %get3A_542 {offsets = [0, 0], sizes = [1024, 64], strides = [1, 1]} : vector<1024x128xf32> to vector<1024x64xf32>
      %dot_general3A_744 = arith.constant dense<0.000000e+00> : vector<256x1024xf32>
      %dot_general3A_745 = tpu.matmul %slice3A_742, %slice3A_743, %dot_general3A_744 {dimension_numbers = #tpu.dot_dimension_numbers<[1], [1], [0], [0], [0, 0, 1, 0], [], []>, transpose_lhs_hint = false} : vector<256x64xf32>, vector<1024x64xf32>, vector<256x1024xf32> -> vector<256x1024xf32>
      %mul3A_746 = arith.constant 1.250000e-01 : f32
      %mul3A_747 = vector.broadcast %mul3A_746 : f32 to vector<256x1024xf32>
      %mul3A_748 = arith.mulf %dot_general3A_745, %mul3A_747 : vector<256x1024xf32>
      %jit3A_749 = arith.constant -1.000000e+09 : f32
      %broadcast_in_dim3A_750 = vector.broadcast %jit3A_749 : f32 to vector<256x1024xf32>
      %select_n3A_751 = arith.select %and3A_741, %mul3A_748, %broadcast_in_dim3A_750 : vector<256x1024xi1>, vector<256x1024xf32>
      %reduce_max3A_752 = arith.constant dense<0xFF800000> : vector<256xf32>
      %reduce_max3A_753 = vector.multi_reduction <maximumf>, %select_n3A_751, %reduce_max3A_752 [1] : vector<256x1024xf32> to vector<256xf32>
      %broadcast_in_dim3A_754 = vector.shape_cast %reduce_max3A_753 : vector<256xf32> to vector<256x1xf32>
      %sub3A_755 = vector.broadcast %broadcast_in_dim3A_754 : vector<256x1xf32> to vector<256x1024xf32>
      %sub3A_756 = arith.subf %select_n3A_751, %sub3A_755 : vector<256x1024xf32>
      %exp3A_757 = math.exp %sub3A_756 : vector<256x1024xf32>
      %reduce_sum3A_758 = arith.constant dense<0.000000e+00> : vector<256xf32>
      %reduce_sum3A_759 = vector.multi_reduction <add>, %exp3A_757, %reduce_sum3A_758 [1] : vector<256x1024xf32> to vector<256xf32>
      %broadcast_in_dim3A_760 = vector.shape_cast %reduce_sum3A_759 : vector<256xf32> to vector<256x1xf32>
      %div3A_761 = vector.broadcast %broadcast_in_dim3A_760 : vector<256x1xf32> to vector<256x1024xf32>
      %div3A_762 = arith.divf %exp3A_757, %div3A_761 : vector<256x1024xf32>
      %slice3A_763 = vector.extract_strided_slice %get3A_547 {offsets = [0, 0], sizes = [1024, 64], strides = [1, 1]} : vector<1024x128xf32> to vector<1024x64xf32>
      %dot_general3A_764 = arith.constant dense<0.000000e+00> : vector<256x64xf32>
      %dot_general3A_765 = tpu.matmul %div3A_762, %slice3A_763, %dot_general3A_764 {dimension_numbers = #tpu.dot_dimension_numbers<[1], [0], [0], [1], [0, 0, 1, 1], [], []>, transpose_lhs_hint = false} : vector<256x1024xf32>, vector<1024x64xf32>, vector<256x64xf32> -> vector<256x64xf32>
      %slice3A_766 = vector.extract_strided_slice %get3A_537 {offsets = [768, 64], sizes = [256, 64], strides = [1, 1]} : vector<1024x128xf32> to vector<256x64xf32>
      %slice3A_767 = vector.extract_strided_slice %get3A_542 {offsets = [0, 64], sizes = [1024, 64], strides = [1, 1]} : vector<1024x128xf32> to vector<1024x64xf32>
      %dot_general3A_768 = arith.constant dense<0.000000e+00> : vector<256x1024xf32>
      %dot_general3A_769 = tpu.matmul %slice3A_766, %slice3A_767, %dot_general3A_768 {dimension_numbers = #tpu.dot_dimension_numbers<[1], [1], [0], [0], [0, 0, 1, 0], [], []>, transpose_lhs_hint = false} : vector<256x64xf32>, vector<1024x64xf32>, vector<256x1024xf32> -> vector<256x1024xf32>
      %mul3A_770 = arith.constant 1.250000e-01 : f32
      %mul3A_771 = vector.broadcast %mul3A_770 : f32 to vector<256x1024xf32>
      %mul3A_772 = arith.mulf %dot_general3A_769, %mul3A_771 : vector<256x1024xf32>
      %jit3A_773 = arith.constant -1.000000e+09 : f32
      %broadcast_in_dim3A_774 = vector.broadcast %jit3A_773 : f32 to vector<256x1024xf32>
      %select_n3A_775 = arith.select %and3A_741, %mul3A_772, %broadcast_in_dim3A_774 : vector<256x1024xi1>, vector<256x1024xf32>
      %reduce_max3A_776 = arith.constant dense<0xFF800000> : vector<256xf32>
      %reduce_max3A_777 = vector.multi_reduction <maximumf>, %select_n3A_775, %reduce_max3A_776 [1] : vector<256x1024xf32> to vector<256xf32>
      %broadcast_in_dim3A_778 = vector.shape_cast %reduce_max3A_777 : vector<256xf32> to vector<256x1xf32>
      %sub3A_779 = vector.broadcast %broadcast_in_dim3A_778 : vector<256x1xf32> to vector<256x1024xf32>
      %sub3A_780 = arith.subf %select_n3A_775, %sub3A_779 : vector<256x1024xf32>
      %exp3A_781 = math.exp %sub3A_780 : vector<256x1024xf32>
      %reduce_sum3A_782 = arith.constant dense<0.000000e+00> : vector<256xf32>
      %reduce_sum3A_783 = vector.multi_reduction <add>, %exp3A_781, %reduce_sum3A_782 [1] : vector<256x1024xf32> to vector<256xf32>
      %broadcast_in_dim3A_784 = vector.shape_cast %reduce_sum3A_783 : vector<256xf32> to vector<256x1xf32>
      %div3A_785 = vector.broadcast %broadcast_in_dim3A_784 : vector<256x1xf32> to vector<256x1024xf32>
      %div3A_786 = arith.divf %exp3A_781, %div3A_785 : vector<256x1024xf32>
      %slice3A_787 = vector.extract_strided_slice %get3A_547 {offsets = [0, 64], sizes = [1024, 64], strides = [1, 1]} : vector<1024x128xf32> to vector<1024x64xf32>
      %dot_general3A_788 = arith.constant dense<0.000000e+00> : vector<256x64xf32>
      %dot_general3A_789 = tpu.matmul %div3A_786, %slice3A_787, %dot_general3A_788 {dimension_numbers = #tpu.dot_dimension_numbers<[1], [0], [0], [1], [0, 0, 1, 1], [], []>, transpose_lhs_hint = false} : vector<256x1024xf32>, vector<1024x64xf32>, vector<256x64xf32> -> vector<256x64xf32>
      %concatenate3A_790 = tpu.concatenate %dot_general3A_765, %dot_general3A_789 in 1 : vector<256x64xf32>, vector<256x64xf32> -> vector<256x128xf32>
      %swap3A_791 = arith.index_cast %scan3A_532 : i32 to index
      %swap3A_792 = arith.constant 768 : index
      %swap3A_793 = arith.constant 0 : index
      %swap3A_794 = vector.load %arg12[%swap3A_791, %swap3A_792, %swap3A_793] : memref<8x1024x128xf32, #tpu.memory_space<vmem>>, vector<1x256x128xf32>
      %swap3A_795 = vector.shape_cast %swap3A_794 : vector<1x256x128xf32> to vector<256x128xf32>
      %swap3A_796 = vector.shape_cast %concatenate3A_790 : vector<256x128xf32> to vector<1x256x128xf32>
      tpu.vector_store %arg12[%swap3A_791, %swap3A_792, %swap3A_793], %swap3A_796 {strides = array<i32>} : memref<8x1024x128xf32, #tpu.memory_space<vmem>>, vector<1x256x128xf32>,
    }
    %scan3A_443 = arith.constant 8 : i32
    %get3A_444 = arith.constant 0 : index
    %get3A_445 = arith.constant 0 : index
    %get3A_446 = arith.constant 0 : index
    %get3A_447 = vector.load %arg12[%get3A_444, %get3A_445, %get3A_446] : memref<8x1024x128xf32, #tpu.memory_space<vmem>>, vector<1x1024x128xf32>
    %get3A_448 = vector.shape_cast %get3A_447 : vector<1x1024x128xf32> to vector<1024x128xf32>
    %swap3A_449 = arith.constant 0 : index
    %swap3A_450 = arith.constant 0 : index
    %swap3A_451 = arith.constant 0 : index
    %swap3A_452 = vector.load %arg8[%swap3A_449, %swap3A_450, %swap3A_451] : memref<1x1024x1024xf32, #tpu.memory_space<vmem>>, vector<1x1024x128xf32>
    %swap3A_453 = vector.shape_cast %swap3A_452 : vector<1x1024x128xf32> to vector<1024x128xf32>
    %swap3A_454 = vector.shape_cast %get3A_448 : vector<1024x128xf32> to vector<1x1024x128xf32>
    tpu.vector_store %arg8[%swap3A_449, %swap3A_450, %swap3A_451], %swap3A_454 {strides = array<i32>} : memref<1x1024x1024xf32, #tpu.memory_space<vmem>>, vector<1x1024x128xf32>,
    %get3A_455 = arith.constant 1 : index
    %get3A_456 = arith.constant 0 : index
    %get3A_457 = arith.constant 0 : index
    %get3A_458 = vector.load %arg12[%get3A_455, %get3A_456, %get3A_457] : memref<8x1024x128xf32, #tpu.memory_space<vmem>>, vector<1x1024x128xf32>
    %get3A_459 = vector.shape_cast %get3A_458 : vector<1x1024x128xf32> to vector<1024x128xf32>
    %swap3A_460 = arith.constant 0 : index
    %swap3A_461 = arith.constant 0 : index
    %swap3A_462 = arith.constant 128 : index
    %swap3A_463 = vector.load %arg8[%swap3A_460, %swap3A_461, %swap3A_462] : memref<1x1024x1024xf32, #tpu.memory_space<vmem>>, vector<1x1024x128xf32>
    %swap3A_464 = vector.shape_cast %swap3A_463 : vector<1x1024x128xf32> to vector<1024x128xf32>
    %swap3A_465 = vector.shape_cast %get3A_459 : vector<1024x128xf32> to vector<1x1024x128xf32>
    tpu.vector_store %arg8[%swap3A_460, %swap3A_461, %swap3A_462], %swap3A_465 {strides = array<i32>} : memref<1x1024x1024xf32, #tpu.memory_space<vmem>>, vector<1x1024x128xf32>,
    %get3A_466 = arith.constant 2 : index
    %get3A_467 = arith.constant 0 : index
    %get3A_468 = arith.constant 0 : index
    %get3A_469 = vector.load %arg12[%get3A_466, %get3A_467, %get3A_468] : memref<8x1024x128xf32, #tpu.memory_space<vmem>>, vector<1x1024x128xf32>
    %get3A_470 = vector.shape_cast %get3A_469 : vector<1x1024x128xf32> to vector<1024x128xf32>
    %swap3A_471 = arith.constant 0 : index
    %swap3A_472 = arith.constant 0 : index
    %swap3A_473 = arith.constant 256 : index
    %swap3A_474 = vector.load %arg8[%swap3A_471, %swap3A_472, %swap3A_473] : memref<1x1024x1024xf32, #tpu.memory_space<vmem>>, vector<1x1024x128xf32>
    %swap3A_475 = vector.shape_cast %swap3A_474 : vector<1x1024x128xf32> to vector<1024x128xf32>
    %swap3A_476 = vector.shape_cast %get3A_470 : vector<1024x128xf32> to vector<1x1024x128xf32>
    tpu.vector_store %arg8[%swap3A_471, %swap3A_472, %swap3A_473], %swap3A_476 {strides = array<i32>} : memref<1x1024x1024xf32, #tpu.memory_space<vmem>>, vector<1x1024x128xf32>,
    %get3A_477 = arith.constant 3 : index
    %get3A_478 = arith.constant 0 : index
    %get3A_479 = arith.constant 0 : index
    %get3A_480 = vector.load %arg12[%get3A_477, %get3A_478, %get3A_479] : memref<8x1024x128xf32, #tpu.memory_space<vmem>>, vector<1x1024x128xf32>
    %get3A_481 = vector.shape_cast %get3A_480 : vector<1x1024x128xf32> to vector<1024x128xf32>
    %swap3A_482 = arith.constant 0 : index
    %swap3A_483 = arith.constant 0 : index
    %swap3A_484 = arith.constant 384 : index
    %swap3A_485 = vector.load %arg8[%swap3A_482, %swap3A_483, %swap3A_484] : memref<1x1024x1024xf32, #tpu.memory_space<vmem>>, vector<1x1024x128xf32>
    %swap3A_486 = vector.shape_cast %swap3A_485 : vector<1x1024x128xf32> to vector<1024x128xf32>
    %swap3A_487 = vector.shape_cast %get3A_481 : vector<1024x128xf32> to vector<1x1024x128xf32>
    tpu.vector_store %arg8[%swap3A_482, %swap3A_483, %swap3A_484], %swap3A_487 {strides = array<i32>} : memref<1x1024x1024xf32, #tpu.memory_space<vmem>>, vector<1x1024x128xf32>,
    %get3A_488 = arith.constant 4 : index
    %get3A_489 = arith.constant 0 : index
    %get3A_490 = arith.constant 0 : index
    %get3A_491 = vector.load %arg12[%get3A_488, %get3A_489, %get3A_490] : memref<8x1024x128xf32, #tpu.memory_space<vmem>>, vector<1x1024x128xf32>
    %get3A_492 = vector.shape_cast %get3A_491 : vector<1x1024x128xf32> to vector<1024x128xf32>
    %swap3A_493 = arith.constant 0 : index
    %swap3A_494 = arith.constant 0 : index
    %swap3A_495 = arith.constant 512 : index
    %swap3A_496 = vector.load %arg8[%swap3A_493, %swap3A_494, %swap3A_495] : memref<1x1024x1024xf32, #tpu.memory_space<vmem>>, vector<1x1024x128xf32>
    %swap3A_497 = vector.shape_cast %swap3A_496 : vector<1x1024x128xf32> to vector<1024x128xf32>
    %swap3A_498 = vector.shape_cast %get3A_492 : vector<1024x128xf32> to vector<1x1024x128xf32>
    tpu.vector_store %arg8[%swap3A_493, %swap3A_494, %swap3A_495], %swap3A_498 {strides = array<i32>} : memref<1x1024x1024xf32, #tpu.memory_space<vmem>>, vector<1x1024x128xf32>,
    %get3A_499 = arith.constant 5 : index
    %get3A_500 = arith.constant 0 : index
    %get3A_501 = arith.constant 0 : index
    %get3A_502 = vector.load %arg12[%get3A_499, %get3A_500, %get3A_501] : memref<8x1024x128xf32, #tpu.memory_space<vmem>>, vector<1x1024x128xf32>
    %get3A_503 = vector.shape_cast %get3A_502 : vector<1x1024x128xf32> to vector<1024x128xf32>
    %swap3A_504 = arith.constant 0 : index
    %swap3A_505 = arith.constant 0 : index
    %swap3A_506 = arith.constant 640 : index
    %swap3A_507 = vector.load %arg8[%swap3A_504, %swap3A_505, %swap3A_506] : memref<1x1024x1024xf32, #tpu.memory_space<vmem>>, vector<1x1024x128xf32>
    %swap3A_508 = vector.shape_cast %swap3A_507 : vector<1x1024x128xf32> to vector<1024x128xf32>
    %swap3A_509 = vector.shape_cast %get3A_503 : vector<1024x128xf32> to vector<1x1024x128xf32>
    tpu.vector_store %arg8[%swap3A_504, %swap3A_505, %swap3A_506], %swap3A_509 {strides = array<i32>} : memref<1x1024x1024xf32, #tpu.memory_space<vmem>>, vector<1x1024x128xf32>,
    %get3A_510 = arith.constant 6 : index
    %get3A_511 = arith.constant 0 : index
    %get3A_512 = arith.constant 0 : index
    %get3A_513 = vector.load %arg12[%get3A_510, %get3A_511, %get3A_512] : memref<8x1024x128xf32, #tpu.memory_space<vmem>>, vector<1x1024x128xf32>
    %get3A_514 = vector.shape_cast %get3A_513 : vector<1x1024x128xf32> to vector<1024x128xf32>
    %swap3A_515 = arith.constant 0 : index
    %swap3A_516 = arith.constant 0 : index
    %swap3A_517 = arith.constant 768 : index
    %swap3A_518 = vector.load %arg8[%swap3A_515, %swap3A_516, %swap3A_517] : memref<1x1024x1024xf32, #tpu.memory_space<vmem>>, vector<1x1024x128xf32>
    %swap3A_519 = vector.shape_cast %swap3A_518 : vector<1x1024x128xf32> to vector<1024x128xf32>
    %swap3A_520 = vector.shape_cast %get3A_514 : vector<1024x128xf32> to vector<1x1024x128xf32>
    tpu.vector_store %arg8[%swap3A_515, %swap3A_516, %swap3A_517], %swap3A_520 {strides = array<i32>} : memref<1x1024x1024xf32, #tpu.memory_space<vmem>>, vector<1x1024x128xf32>,
    %get3A_521 = arith.constant 7 : index
    %get3A_522 = arith.constant 0 : index
    %get3A_523 = arith.constant 0 : index
    %get3A_524 = vector.load %arg12[%get3A_521, %get3A_522, %get3A_523] : memref<8x1024x128xf32, #tpu.memory_space<vmem>>, vector<1x1024x128xf32>
    %get3A_525 = vector.shape_cast %get3A_524 : vector<1x1024x128xf32> to vector<1024x128xf32>
    %swap3A_526 = arith.constant 0 : index
    %swap3A_527 = arith.constant 0 : index
    %swap3A_528 = arith.constant 896 : index
    %swap3A_529 = vector.load %arg8[%swap3A_526, %swap3A_527, %swap3A_528] : memref<1x1024x1024xf32, #tpu.memory_space<vmem>>, vector<1x1024x128xf32>
    %swap3A_530 = vector.shape_cast %swap3A_529 : vector<1x1024x128xf32> to vector<1024x128xf32>
    %swap3A_531 = vector.shape_cast %get3A_525 : vector<1024x128xf32> to vector<1x1024x128xf32>
    tpu.vector_store %arg8[%swap3A_526, %swap3A_527, %swap3A_528], %swap3A_531 {strides = array<i32>} : memref<1x1024x1024xf32, #tpu.memory_space<vmem>>, vector<1x1024x128xf32>,
    return
  }
  func.func @transform_0(%arg0: i32) -> (i32, i32, i32) {
    %c0_i32 = arith.constant 0 : i32
    %c0_i32_0 = arith.constant 0 : i32
    %c0_i32_1 = arith.constant 0 : i32
    return %arg0, %c0_i32, %c0_i32_0 : i32, i32, i32
  }
  func.func @transform_1(%arg0: i32) -> (i32, i32) {
    %c0_i32 = arith.constant 0 : i32
    %c0_i32_0 = arith.constant 0 : i32
    %c0_i32_1 = arith.constant 0 : i32
    return %c0_i32, %c0_i32_0 : i32, i32
  }
  func.func @transform_2(%arg0: i32) -> (i32, i32) {
    %c0_i32 = arith.constant 0 : i32
    %c0_i32_0 = arith.constant 0 : i32
    %c0_i32_1 = arith.constant 0 : i32
    return %c0_i32, %c0_i32_0 : i32, i32
  }
  func.func @transform_3(%arg0: i32) -> (i32, i32) {
    %c0_i32 = arith.constant 0 : i32
    %c0_i32_0 = arith.constant 0 : i32
    %c0_i32_1 = arith.constant 0 : i32
    return %c0_i32, %c0_i32_0 : i32, i32
  }
  func.func @transform_4(%arg0: i32) -> (i32, i32) {
    %c0_i32 = arith.constant 0 : i32
    %c0_i32_0 = arith.constant 0 : i32
    %c0_i32_1 = arith.constant 0 : i32
    return %c0_i32, %c0_i32_0 : i32, i32
  }
  func.func @transform_5(%arg0: i32) -> (i32, i32) {
    %c0_i32 = arith.constant 0 : i32
    %c0_i32_0 = arith.constant 0 : i32
    %c0_i32_1 = arith.constant 0 : i32
    return %c0_i32, %c0_i32_0 : i32, i32
  }
  func.func @transform_6(%arg0: i32) -> (i32, i32, i32) {
    %c0_i32 = arith.constant 0 : i32
    %c0_i32_0 = arith.constant 0 : i32
    %c0_i32_1 = arith.constant 0 : i32
    return %arg0, %c0_i32, %c0_i32_0 : i32, i32, i32
  }
  func.func @transform_7(%arg0: i32) -> (i32, i32, i32) {
    %c0_i32 = arith.constant 0 : i32
    %c0_i32_0 = arith.constant 0 : i32
    %c0_i32_1 = arith.constant 0 : i32
    return %arg0, %c0_i32, %c0_i32_0 : i32, i32, i32
  }
}

module attributes {stable_mosaic.version = 14 : i64} {
  func.func @_wo_body(%arg0: i32, %arg1: memref<1024x1024xf32, #tpu.memory_space<vmem>>, %arg2: memref<1024x1xf32, #tpu.memory_space<vmem>>, %arg3: memref<1024x1024xf32, #tpu.memory_space<vmem>>, %arg4: memref<1024x1024xf32, #tpu.memory_space<vmem>>) attributes {dimension_semantics = [#tpu.dimension_semantics<arbitrary>], iteration_bounds = array<i64: 8>, scalar_prefetch = 0 : i64, scratch_operands = 0 : i64, tpu.core_type = #tpu.core_type<tc>, window_params = [{transform_indices = @transform_0, window_bounds = array<i64: 1024, 1024>}, {transform_indices = @transform_1, window_bounds = array<i64: 1024, 1>}, {pipeline_mode = #tpu.pipeline_mode<synchronous>, transform_indices = @transform_2, window_bounds = array<i64: 1024, 1024>}, {transform_indices = @transform_3, window_bounds = array<i64: 1024, 1024>}]} {
    %get3A = arith.constant 0 : index
    %get3A_0 = arith.constant 0 : index
    %get3A_1 = vector.load %arg1[%get3A, %get3A_0] : memref<1024x1024xf32, #tpu.memory_space<vmem>>, vector<1024x1024xf32>
    %get3A_2 = arith.constant 0 : index
    %get3A_3 = arith.constant 0 : index
    %get3A_4 = vector.load %arg2[%get3A_2, %get3A_3] : memref<1024x1xf32, #tpu.memory_space<vmem>>, vector<1024x1xf32>
    %gt3A = arith.constant 0.000000e+00 : f32
    %gt3A_5 = vector.broadcast %gt3A : f32 to vector<1024x1xf32>
    %gt3A_6 = arith.cmpf ogt, %get3A_4, %gt3A_5 : vector<1024x1xf32>
    %mul3A = vector.broadcast %get3A_4 : vector<1024x1xf32> to vector<1024x1024xf32>
    %mul3A_7 = arith.mulf %get3A_1, %mul3A : vector<1024x1024xf32>
    %jit3A = arith.constant 0.000000e+00 : f32
    %broadcast_in_dim3A = vector.shape_cast %gt3A_6 : vector<1024x1xi1> to vector<1024x1xi1>
    %broadcast_in_dim3A_8 = vector.broadcast %broadcast_in_dim3A : vector<1024x1xi1> to vector<1024x1024xi1>
    %broadcast_in_dim3A_9 = vector.broadcast %jit3A : f32 to vector<1024x1024xf32>
    %select_n3A = arith.select %broadcast_in_dim3A_8, %mul3A_7, %broadcast_in_dim3A_9 : vector<1024x1024xi1>, vector<1024x1024xf32>
    %get3A_10 = arith.constant 0 : index
    %get3A_11 = arith.constant 0 : index
    %get3A_12 = vector.load %arg3[%get3A_10, %get3A_11] : memref<1024x1024xf32, #tpu.memory_space<vmem>>, vector<1024x1024xf32>
    %dot_general3A = arith.constant dense<0.000000e+00> : vector<1024x1024xf32>
    %dot_general3A_13 = tpu.matmul %select_n3A, %get3A_12, %dot_general3A {dimension_numbers = #tpu.dot_dimension_numbers<[1], [0], [0], [1], [0, 0, 1, 1], [], []>, transpose_lhs_hint = false} : vector<1024x1024xf32>, vector<1024x1024xf32>, vector<1024x1024xf32> -> vector<1024x1024xf32>
    %swap3A = arith.constant 0 : index
    %swap3A_14 = arith.constant 0 : index
    %swap3A_15 = vector.load %arg4[%swap3A, %swap3A_14] : memref<1024x1024xf32, #tpu.memory_space<vmem>>, vector<1024x1024xf32>
    tpu.vector_store %arg4[%swap3A, %swap3A_14], %dot_general3A_13 {strides = array<i32>} : memref<1024x1024xf32, #tpu.memory_space<vmem>>, vector<1024x1024xf32>,
    return
  }
  func.func @transform_0(%arg0: i32) -> (i32, i32) {
    %c0_i32 = arith.constant 0 : i32
    %c0_i32_0 = arith.constant 0 : i32
    return %arg0, %c0_i32 : i32, i32
  }
  func.func @transform_1(%arg0: i32) -> (i32, i32) {
    %c0_i32 = arith.constant 0 : i32
    %c0_i32_0 = arith.constant 0 : i32
    return %arg0, %c0_i32 : i32, i32
  }
  func.func @transform_2(%arg0: i32) -> (i32, i32) {
    %c0_i32 = arith.constant 0 : i32
    %c0_i32_0 = arith.constant 0 : i32
    %c0_i32_1 = arith.constant 0 : i32
    return %c0_i32, %c0_i32_0 : i32, i32
  }
  func.func @transform_3(%arg0: i32) -> (i32, i32) {
    %c0_i32 = arith.constant 0 : i32
    %c0_i32_0 = arith.constant 0 : i32
    return %arg0, %c0_i32 : i32, i32
  }
}

</mosaic_0001>

<sc_bundles>
// kernel: kernel.11.cloned.1.call-start
scs
__scs_entry_jumppad:
0x0: {  	(pc) =	sbr.rel $0x88, $3  }
0x1: {  	(tag) =	ssettag $0x0;
	lr =	simm.s32 $0x1  }
0x2: {  	[smem:$0x3F9B] =	sst lr;
	_ =	strace $0xD0000000  }
0x3: {  	_ = 	snop  }
0x4: {  	_ = 	snop  }
0x5: {  	_ = 	snop  }
0x6: {  	_ = 	snop  }
0x7: {  	_ = 	snop  }
__scs_overlays_trampoline_lowered:
0x8: {  	[smem:$0x3FAA] =	sst s0  }
0x9: {  	[smem:$0x3FAB] =	sst s1  }
0xa: {  	[smem:$0x3FAC] =	sst s2  }
0xb: {  	[smem:$0x3FAD] =	sst s3  }
0xc: {  	[smem:$0x3FAE] =	sst s4  }
0xd: {  	[smem:$0x3FAF] =	sst s5  }
0xe: {  	[smem:$0x3FB0] =	sst s6  }
0xf: {  	[smem:$0x3FB1] =	sst s7  }
0x10: {  	[smem:$0x3FB2] =	sst s8  }
0x11: {  	[smem:$0x3FB3] =	sst s9;
	s0 =	simm.s32 @!p0 $0x0  }
0x12: {  	s1 =	sld [smem:$0x3F99];
	s0 =	simm.s32 @p0 $0x1  }
0x13: {  	[smem:$0x3FB4] =	sst s0;
	s0 =	simm.s32 @!p1 $0x0  }
0x14: {  	s2 =	sld [smem:$0x3F98];
	s0 =	simm.s32 @p1 $0x1  }
0x15: {  	[smem:$0x3FB5] =	sst s0;
	s0 =	simm.s32 @!p2 $0x0  }
0x16: {  	s3 =	sld [smem:$0x3FDB];
	s0 =	simm.s32 @p2 $0x1  }
0x17: {  	s4 =	simm.s32 $0x1BF5;
	[smem:$0x3FB7] =	sst s0  }
0x18: {  	s0 =	sld [smem:$0x3F9A];
	_ =	swait.ge [sflag:s4], $0x0  }
0x19: {  	s7 =	sld [smem:$0x3F9B]  }
0x1a: {  	s8 =	sadd.s32 $0xFFFFE003, lr  }
0x1b: {  	s9 =	sadd.s32 $0xFFFFFEF7, lr;
	s5 =	simm.s32 $0xFFFFFFFF;
	p2 =	slt.u32 s8, $0xFFFFF086  }
0x1c: {  	p1 =	slt.u32 s9, $0xF7A;
	s5 =	simm.s32 @!p2 $0x0  }
0x1d: {  	s5 =	simm.s32 @p1 $0x1;
	p0 =	seq.s32 s7, s2  }
0x1e: {  	s7 =	smul.u32 @!p0 $0xF7A, s2;
	p2 =	seq.s32 @!p0 s5, $0x0  }
0x1f: {  	s9 =	smul.u32 $0xF7A, s1;
	s8 =	simm.s32 @!p0 $0x1BF5;
	p2 =	por !p2, p0  }
0x20: {  	[sflag:s8] =	ssyncset.s32 @!p0 $0xFFFFF086;
	s6 =	sadd.s32 @!p0 s3, s7;
	s7 =	simm.s32 @!p0 $0x108  }
0x21: {  	s3 =	sadd.s32 s3, s9;
	s6 =	sadd.s32 @!p0 $0x88, s6;
	s7 =	simm.s32 @p2 $0x1082  }
0x22: {  	[simem:s7], [sflag:s8] =	dma.local @!p0 [hbm:s6], $0xF7A  }
0x23: {  	s9 =	sor.u32 $0xD0000000, s2;
	s6 =	simm.s32 $0x108;
	_ =	swait.ge @!p0 [sflag:s8], $0x0  }
0x24: {  	s3 =	sadd.s32 $0x88, s3;
	s6 =	simm.s32 @!p1 $0x1082;
	[sflag:s4] =	ssyncset.s32 $0xFFFFF086  }
0x25: {  	[simem:s6], [sflag:s4] =	dma.local [hbm:s3], $0xF7A  }
0x26: {  	[smem:$0x3F9B] =	sst s1;
	(tag) =	ssettag s2;
	_ =	strace s9  }
0x27: {  	s1 =	sld [smem:$0x3FAB]  }
0x28: {  	s2 =	sld [smem:$0x3FAC]  }
0x29: {  	s4 =	sld [smem:$0x3FAE]  }
0x2a: {  	p0 =	seq.s32 s5, $0x0;
	s5 =	sld [smem:$0x3FAF]  }
0x2b: {  	s6 =	sld [smem:$0x3FB0]  }
0x2c: {  	s7 =	sld [smem:$0x3FB1]  }
0x2d: {  	s3 =	simm.s32 $0x108;
	s8 =	sld [smem:$0x3FB2]  }
0x2e: {  	s3 =	simm.s32 @!p0 $0x1082;
	s9 =	sld [smem:$0x3FB3]  }
0x2f: {  	lr =	sadd.s32 s0, s3;
	s0 =	sld [smem:$0x3FAA]  }
0x30: {  	s3 =	sld [smem:$0x3FAD]  }
0x31: {  	[smem:$0x3FB6] =	sst s10  }
0x32: {  	s10 =	sld [smem:$0x3FB4];
	_ =	sdelay $0x3  }
0x33: {  	p0 =	seq.s32 s10, $0x1;
	s10 =	sld [smem:$0x3FB6];
	_ =	sdelay $0x3  }
0x34: {  	[smem:$0x3FB6] =	sst s10  }
0x35: {  	s10 =	sld [smem:$0x3FB5];
	_ =	sdelay $0x3  }
0x36: {  	p1 =	seq.s32 s10, $0x1;
	s10 =	sld [smem:$0x3FB6];
	_ =	sdelay $0x3  }
0x37: {  	[smem:$0x3FB6] =	sst s10  }
0x38: {  	s10 =	sld [smem:$0x3FB7]  }
0x39: {  	_ = 	snop;
	(pc) =	sbr.ind lr, $3  }
0x3a: {  	_ = 	snop  }
0x3b: {  	_ = 	snop  }
0x3c: {  	p2 =	seq.s32 s10, $0x1;
	s10 =	sld [smem:$0x3FB6]  }
0x3d: {  	_ =	shalt  }
0x3e: {  	_ =	shalt  }
0x3f: {  	_ =	shalt  }
0x40: {  	_ =	shalt  }
0x41: {  	_ =	shalt  }
0x42: {  	_ =	shalt  }
0x43: {  	_ =	shalt  }
0x44: {  	_ =	shalt  }
0x45: {  	_ =	shalt  }
0x46: {  	_ =	shalt  }
0x47: {  	_ =	shalt  }
0x48: {  	_ =	shalt  }
0x49: {  	_ =	shalt  }
0x4a: {  	_ =	shalt  }
0x4b: {  	_ =	shalt  }
0x4c: {  	_ =	shalt  }
0x4d: {  	_ =	shalt  }
0x4e: {  	_ =	shalt  }
0x4f: {  	_ =	shalt  }
0x50: {  	_ =	shalt  }
0x51: {  	_ =	shalt  }
0x52: {  	_ =	shalt  }
0x53: {  	_ =	shalt  }
0x54: {  	_ =	shalt  }
0x55: {  	_ =	shalt  }
0x56: {  	_ =	shalt  }
0x57: {  	_ =	shalt  }
0x58: {  	_ =	shalt  }
0x59: {  	_ =	shalt  }
0x5a: {  	_ =	shalt  }
0x5b: {  	_ =	shalt  }
0x5c: {  	_ =	shalt  }
0x5d: {  	_ =	shalt  }
0x5e: {  	_ =	shalt  }
0x5f: {  	_ =	shalt  }
0x60: {  	_ =	shalt  }
0x61: {  	_ =	shalt  }
0x62: {  	_ =	shalt  }
0x63: {  	_ =	shalt  }
0x64: {  	_ =	shalt  }
0x65: {  	_ =	shalt  }
0x66: {  	_ =	shalt  }
0x67: {  	_ =	shalt  }
0x68: {  	_ =	shalt  }
0x69: {  	_ =	shalt  }
0x6a: {  	_ =	shalt  }
0x6b: {  	_ =	shalt  }
0x6c: {  	_ =	shalt  }
0x6d: {  	_ =	shalt  }
0x6e: {  	_ =	shalt  }
0x6f: {  	_ =	shalt  }
0x70: {  	_ =	shalt  }
0x71: {  	_ =	shalt  }
0x72: {  	_ =	shalt  }
0x73: {  	_ =	shalt  }
0x74: {  	_ =	shalt  }
0x75: {  	_ =	shalt  }
0x76: {  	_ =	shalt  }
0x77: {  	_ =	shalt  }
0x78: {  	_ =	shalt  }
0x79: {  	_ =	shalt  }
0x7a: {  	_ =	shalt  }
0x7b: {  	_ =	shalt  }
0x7c: {  	_ =	shalt  }
0x7d: {  	_ =	shalt  }
0x7e: {  	_ =	shalt  }
0x7f: {  	_ =	shalt  }
0x80: {  	_ =	shalt  }
0x81: {  	_ =	shalt  }
0x82: {  	_ =	shalt  }
0x83: {  	_ =	shalt  }
0x84: {  	_ =	shalt  }
0x85: {  	_ =	shalt  }
0x86: {  	_ =	shalt  }
0x87: {  	_ =	shalt  }
.Lfunc_end0:
.L_simem_size_0:
called_computation.1_lowered:
.L_overlay_start_0:
0x88: {  	s2 =	sld [smem:$0x3FD9]  }
0x89: {  	s3 =	sld [smem:$0x3FFE];
	_ =	sdelay $0x1  }
0x8a: {  	s1 =	srdreg.scid  }
0x8b: {  	s0 =	sand.u32 $0x1, s1  }
0x8c: {  	s14 =	sshll.u32 s0, $0xA;
	s2 =	sadd.s32 s3, s2  }
0x8d: {  	s2 =	sadd.s32 s2, s14  }
0x8e: {  	[smem:$0x3FC2] =	sst s2  }
0x8f: {  	_ = 	snop  }
0x90: {  	s2 =	sld [smem:$0x3FD0];
	_ =	sdelay $0x2  }
0x91: {  	s15 =	simm.s32 $0xA;
	s4 =	simm.s32 $0x10  }
0x92: {  	[smem:s4], [sflag:s15] =	dma.local [hbm:s2], $0x1  }
0x93: {  	_ =	swait.eq [sflag:s15], $0x1  }
0x94: {  	[sflag:s15] =	ssyncset.done $0x0  }
0x95: {  	[sflag:s15] =	ssyncadd.s32 $0xFFFFFFFF  }
0x96: {  	s16 =	sld [smem:$0x10];
	(tm) =	ssettm $0x1  }
0x97: {  	s17 =	sld [smem:$0x3FFB];
	_ =	sdelay $0x3  }
0x98: {  	_ =	strace s17  }
0x99: {  	s3 =	sld [smem:$0x3FFC];
	_ =	sdelay $0x3  }
0x9a: {  	_ =	strace s3  }
0x9b: {  	s3 =	sld [smem:$0x3FFD];
	_ =	sdelay $0x3  }
0x9c: {  	_ =	strace s3  }
0x9d: {  	_ =	strace $0x8FFFFFFF  }
0x9e: {  	s18 =	sld [smem:$0x3FDB];
	_ =	sdelay $0x1  }
0x9f: {  	s19 =	simm.s32 $_scs_section_size  }
0xa0: {  	s5 =	simm.s32 $_size__tile_overlayer_lowered;
	s6 =	simm.s32 $_tile_overlayer_lowered  }
0xa1: {  	s22 =	simm.s32 $0x1BFF;
	s21 =	sshll.u32 s6, $0x1;
	s3 =	sadd.s32 s19, s18  }
0xa2: {  	s7 =	simm.s32 $0x0;
	s20 =	sshll.u32 s5, $0x1;
	s5 =	sadd.s32 s21, s3  }
0xa3: {  	[timem:s7], [sflag:s22] =	dma.local [hbm:s5], s20  }
0xa4: {  	_ =	swait.ge [sflag:s22], s20  }
0xa5: {  	s4 =	ssub.s32 $0x0, s20;
	[sflag:s22] =	ssyncset.done $0x0  }
0xa6: {  	[sflag:s22] =	ssyncadd.s32 s4;
	_ =	sdelay $0x1  }
0xa7: {  	s23 =	simm.s32 $0x1B8B  }
0xa8: {  	_ =	swait.ge [sflag:s23], $0x1  }
0xa9: {  	[sflag:s23] =	ssyncset.done $0x0  }
0xaa: {  	s25 =	simm.s32 $0x1B8E;
	s24 =	sld [smem:$0x3FFE];
	[sflag:s23] =	ssyncadd.s32 $0xFFFFFFFF  }
0xab: {  	s26 =	simm.s32 $execute0_lowered;
	[smem:$0x3FD2] =	sst s25  }
0xac: {  	s5 =	sshll.u32 s26, $0x1;
	_ =	strace $0x80000049;
	[dreg:$0x1] =	wrdreg $0xFFFFFFFF  }
0xad: {  	s28 =	simm.s32 $_size_execute0_lowered;
	s3 =	sadd.s32 s3, s5;
	[dreg:$0x0] =	wrdreg $0x0  }
0xae: {  	s5 =	sshll.u32 s28, $0x1;
	[dreg:$0x2] =	wrdreg s3  }
0xaf: {  	[dreg:$0x3] =	wrdreg s5  }
0xb0: {  	[dreg:$0x4] =	wrdreg $0xC0  }
0xb1: {  	_ =	task [dreg:s7], $0x5FFFF  }
0xb2: {  	[dreg:$0x1] =	wrdreg $0xFFFFFFFF  }
0xb3: {  	[dreg:$0x0] =	wrdreg $0x60  }
0xb4: {  	[dreg:$0x2] =	wrdreg s16  }
0xb5: {  	[dreg:$0x3] =	wrdreg s24  }
0xb6: {  	[dreg:$0x4] =	wrdreg $0x9  }
0xb7: {  	_ =	task.clear_ibuf [dreg:s7], $0x5FFFF;
	_ =	strace $0x90000049  }
0xb8: {  	s29 =	simm.s32 $0x9;
	_ =	strace $0x8000004B  }
0xb9: {  	_ =	swait.ge [sflag:s29], $0x1  }
0xba: {  	[sflag:s29] =	ssyncadd.s32 $0xFFFFFFFF  }
0xbb: {  	_ =	strace $0x9000004B  }
0xbc: {  	_ =	sfence  }
0xbd: {  	s30 =	sld [smem:$0x0];
	_ =	sdelay $0x2  }
0xbe: {  	s31 =	sshll.u32 s1, $0xD;
	s1 =	sshrl.u32 s1, $0x2  }
0xbf: {  	s3 =	sand.u32 $0x4000, s31;
	s1 =	sadd.s32 s1, s30  }
0xc0: {  	s0 =	sor.u32 s3, s0;
	s1 =	sshll.u32 s1, $0x11  }
0xc1: {  	s0 =	sor.u32 s1, s0  }
0xc2: {  	s0 =	sadd.s32 $0x8F2B, s0  }
0xc3: {  	[sflag:s0] =	ssyncadd.remote.s32 $0x1  }
0xc4: {  	_ =	sfence.sel $0xFFFF  }
0xc5: {  	[dreg:$0x0] =	wrdreg $0xFFFFFFFF;
	(pc) =	sbr.abs _section_cstart, $3  }
0xc6: {  	[dreg:$0x1] =	wrdreg $0xFFFFFFFF  }
0xc7: {  	_ =	task.clear_ibuf [dreg:s7], $0x2FFFF;
	_ =	strace $0x9FFFFFFF  }
0xc8: {  	(tm) =	ssettm $0x7FFFFFFF  }
0xc9: {  	_ =	shalt  }
tec
execute0_lowered:
.L_overlay_start_1:
0x0: {  	(tag) =	ssettag $0x1  }
0x1: {  	s1 =	rddreg [dreg:$0x0]  }
0x2: {  	s4 =	rddreg [dreg:$0x1];
	s5 =	srdreg.scid  }
0x3: {  	s3 =	simm.s32 $0x0;
	s2 =	stileid.u32;
	s11 =	simm.s32 $0x80  }
0x4: {  	s12 =	simm.s32 $0x880;
	s13 =	simm.s32 $0x1080;
	s14 =	simm.s32 $0x1880  }
0x5: {  	s15 =	simm.s32 $0x2080;
	s16 =	simm.s32 $0x2880;
	s17 =	simm.s32 $0x3080  }
0x6: {  	s18 =	simm.s32 $0x3880;
	s19 =	simm.s32 $0x4080;
	s20 =	simm.s32 $0x4880  }
0x7: {  	s21 =	simm.s32 $0x5080;
	s22 =	simm.s32 $0x5880;
	s23 =	simm.s32 $0x6080  }
0x8: {  	s24 =	simm.s32 $0x6880;
	s25 =	simm.s32 $0x7080;
	s28 =	simm.s32 $0x1  }
0x9: {  	s29 =	simm.s32 $0x0;
	s6 =	sand.u32 $0x1, s5;
	[smem:$0x7FF] =	sst s3  }
0xa: {  	s26 =	sshll.u32 s2, $0x9;
	s8 =	sshll.u32 s2, $0x10;
	s7 =	sshll.u32 s6, $0x8  }
0xb: {  	_ =	strace $0x8000004A;
	s30 =	ssub.s32 $0x2, s6;
	s8 =	sadd.s32 s8, s4  }
0xc: {  	s31 =	sshll.u32 s6, $0xF;
	s6 =	sadd.s32 $0x300, s1;
	s5 =	sor.u32 s7, s26  }
0xd: {  	s9 =	sshrl.u32 s30, $0x1;
	s8 =	sadd.s32 s31, s8;
	s26 =	simm.s32 $0x7880  }
0xe: {  	v2 =	vlaneseq.u32;
	s5 =	sshrl.u32 s5, $0x3;
	s7 =	ssub.s32 s30, s9;
	s8 =	sadd.s32 $0x2000, s8  }
0xf: {  	vm0 =	vmmov $0xffff;
	v1 =	vshrl.u32 v2, $0x3;
	s10 =	sadd.s32 s5, s4;
	s4 =	sadd.s32 $0x100, s1;
	s5 =	sadd.s32 $0x200, s1  }
0x10: {  	v0 =	vand.u32 $0x7, v2;
	v2 =	vor.u32 $0x8, v2;
	v1 =	vmul.u32 $0x8, v1;
	s7 =	smax.u32 s7, $0x1;
	s9 =	sadd.s32 $0x1800, s10;
	s10 =	simm.s32 $0x2  }
.LBB2_1:
0x11: {  	s30 =	smov.u32 s8;
	s31 =	simm.s32 $0x0  }
.LBB2_2:
0x12: {  	s0 =	sadd.s32 s31, s9  }
0x13: {  	[tilespmem:s3], [sflag:$0x2] =	stream.linear.gather [hbm4b:s0+s3], $0x20, $0x38;
	[tilespmem:$0x8080] =	vst v63  }
0x14: {  	_ =	swait.ge [sflag:s10], $0x20  }
0x15: {  	[sflag:s10] =	ssyncset.done $0x0  }
0x16: {  	[sflag:s10] =	ssyncadd.s32 $0xFFFFFFE0  }
0x17: {  	v3 =	vld [tilespmem:$0x0];
	_ =	sdelay $0x4  }
0x18: {  	v4 =	vshll.u32 v3, $0x3  }
0x19: {  	v3 =	vand.u32 $0x7, v3;
	v4 =	vand.u32 $0xFFFFFFC0, v4  }
0x1a: {  	v3 =	vor.u32 v3, v4  }
0x1b: {  	v4 =	vperm.xlane v3, v0;
	_ =	sdelay $0x1  }
0x1c: {  	v4 =	vadd.s32 v1, v4;
	_ =	sdelay $0x4  }
0x1d: {  	[tilespmem:s11], [sflag:$0x1] =	stream.indirect_vreg.gather [hbm4b:s1+s3], $0x80, v4, vm0, $0xb8;
	[tilespmem:$0x8080] =	vst v63  }
0x1e: {  	v3 =	vperm.xlane v3, v2  }
0x1f: {  	[tilespmem:s12], [sflag:$0x1] =	stream.indirect_vreg.gather [hbm4b:s4+s3], $0x80, v4, vm0, $0xb8;
	[tilespmem:$0x8080] =	vst v63  }
0x20: {  	v3 =	vadd.s32 v1, v3  }
0x21: {  	[tilespmem:s13], [sflag:$0x1] =	stream.indirect_vreg.gather [hbm4b:s5+s3], $0x80, v4, vm0, $0xb8;
	[tilespmem:$0x8080] =	vst v63  }
0x22: {  	_ = 	snop  }
0x23: {  	[tilespmem:s14], [sflag:$0x1] =	stream.indirect_vreg.gather [hbm4b:s6+s3], $0x80, v4, vm0, $0xb8;
	[tilespmem:$0x8080] =	vst v63  }
0x24: {  	_ = 	snop  }
0x25: {  	[tilespmem:s15], [sflag:$0x1] =	stream.indirect_vreg.gather [hbm4b:s1+s3], $0x80, v3, vm0, $0xb8;
	[tilespmem:$0x8080] =	vst v63  }
0x26: {  	_ = 	snop  }
0x27: {  	[tilespmem:s16], [sflag:$0x1] =	stream.indirect_vreg.gather [hbm4b:s4+s3], $0x80, v3, vm0, $0xb8;
	[tilespmem:$0x8080] =	vst v63  }
0x28: {  	_ = 	snop  }
0x29: {  	[tilespmem:s17], [sflag:$0x1] =	stream.indirect_vreg.gather [hbm4b:s5+s3], $0x80, v3, vm0, $0xb8;
	[tilespmem:$0x8080] =	vst v63  }
0x2a: {  	_ = 	snop  }
0x2b: {  	[tilespmem:s18], [sflag:$0x1] =	stream.indirect_vreg.gather [hbm4b:s6+s3], $0x80, v3, vm0, $0xb8;
	[tilespmem:$0x8080] =	vst v63  }
0x2c: {  	v3 =	vld [tilespmem:$0x10];
	_ =	sdelay $0x4  }
0x2d: {  	v63 =	vshll.u32 v3, $0x3  }
0x2e: {  	v3 =	vand.u32 $0x7, v3;
	v4 =	vand.u32 $0xFFFFFFC0, v63  }
0x2f: {  	v3 =	vor.u32 v3, v4  }
0x30: {  	v4 =	vperm.xlane v3, v0;
	_ =	sdelay $0x1  }
0x31: {  	v4 =	vadd.s32 v1, v4;
	_ =	sdelay $0x4  }
0x32: {  	[tilespmem:s19], [sflag:$0x1] =	stream.indirect_vreg.gather [hbm4b:s1+s3], $0x80, v4, vm0, $0xb8;
	[tilespmem:$0x8080] =	vst v63  }
0x33: {  	v3 =	vperm.xlane v3, v2  }
0x34: {  	[tilespmem:s20], [sflag:$0x1] =	stream.indirect_vreg.gather [hbm4b:s4+s3], $0x80, v4, vm0, $0xb8;
	[tilespmem:$0x8080] =	vst v63  }
0x35: {  	v3 =	vadd.s32 v1, v3  }
0x36: {  	[tilespmem:s21], [sflag:$0x1] =	stream.indirect_vreg.gather [hbm4b:s5+s3], $0x80, v4, vm0, $0xb8;
	[tilespmem:$0x8080] =	vst v63  }
0x37: {  	_ = 	snop  }
0x38: {  	[tilespmem:s22], [sflag:$0x1] =	stream.indirect_vreg.gather [hbm4b:s6+s3], $0x80, v4, vm0, $0xb8;
	[tilespmem:$0x8080] =	vst v63  }
0x39: {  	_ = 	snop  }
0x3a: {  	[tilespmem:s23], [sflag:$0x1] =	stream.indirect_vreg.gather [hbm4b:s1+s3], $0x80, v3, vm0, $0xb8;
	[tilespmem:$0x8080] =	vst v63  }
0x3b: {  	_ = 	snop  }
0x3c: {  	[tilespmem:s24], [sflag:$0x1] =	stream.indirect_vreg.gather [hbm4b:s4+s3], $0x80, v3, vm0, $0xb8;
	[tilespmem:$0x8080] =	vst v63  }
0x3d: {  	_ = 	snop  }
0x3e: {  	[tilespmem:s25], [sflag:$0x1] =	stream.indirect_vreg.gather [hbm4b:s5+s3], $0x80, v3, vm0, $0xb8;
	[tilespmem:$0x8080] =	vst v63  }
0x3f: {  	_ = 	snop  }
0x40: {  	[tilespmem:s26], [sflag:$0x1] =	stream.indirect_vreg.gather [hbm4b:s6+s3], $0x80, v3, vm0, $0xb8;
	[tilespmem:$0x8080] =	vst v63  }
0x41: {  	_ =	swait.ge [sflag:s28], $0x8000  }
0x42: {  	p0 =	sne.s32 s31, $0x1C;
	[sflag:s28] =	ssyncset.done $0x0  }
.Ltmp0:
0x43: {  	[sflag:s28] =	ssyncadd.s32 $0xFFFF8000;
	(pc) =	sbr.rel @p0 .LBB2_2-.Ltmp0, $4  }
0x44: {  	[hbm4b:s30+s3] =	stream.linear.scatter [tilespmem:s11], [sflag:$0x2], $0x8000, $0x38;
	[tilespmem:$0x8080] =	vst v63  }
0x45: {  	_ =	swait.ge [sflag:s10], $0x8000  }
0x46: {  	[sflag:s10] =	ssyncset.done $0x0  }
0x47: {  	s31 =	sadd.s32 $0x4, s31;
	s30 =	sadd.s32 $0x1000, s30;
	[sflag:s10] =	ssyncadd.s32 $0xFFFF8000  }
0x48: {  	s29 =	sadd.s32 $0x1, s29  }
0x49: {  	p0 =	sne.s32 s29, s7  }
.Ltmp1:
0x4a: {  	_ = 	snop;
	(pc) =	sbr.rel @p0 .LBB2_1-.Ltmp1, $1  }
0x4b: {  	_ =	sdelay $0x3  }
0x4c: {  	_ =	sfence.sel $0x180000  }
0x4d: {  	[bflag:$0x0] =	sbarrier.arrive $0xFFFF  }
0x4e: {  	_ =	strace $0x9000004A  }
0x4f: {  	[bflag:$0x2] =	sbarrier.arrive $0xFFFF  }
0x50: {  	p0 =	sne.s32 s2, $0x0;
	s0 =	rddreg [dreg:$0x2]  }
0x51: {  	s0 =	sadd.s32 @!p0 $0x100000, s0  }
0x52: {  	[sflag:s0] =	ssyncadd.tile.s32 @!p0 $0x1;
	_ =	shalt  }
.Lfunc_end2:
_tile_overlayer_lowered:
.L_overlay_start_2:
0x53: {  	(tag) =	ssettag $0x2  }
0x54: {  	s0 =	rddreg [dreg:$0x0];
	s2 =	stileid.u32  }
0x55: {  	s1 =	rddreg [dreg:$0x1];
	p0 =	sne.s32 s2, $0x0  }
0x56: {  	s3 =	rddreg [dreg:$0x2];
	[bflag:$0x3] =	sbarrier.arrive $0xFFFF;
	s2 =	simm.s32 @!p0 $0x1C02  }
0x57: {  	[timem:s3], [sflag:s2] =	dma.local @!p0 [hbm:s0], s1  }
0x58: {  	s0 =	simm.s32 @!p0 $0x2  }
0x59: {  	_ =	swait.ge @!p0 [sflag:s0], s1  }
0x5a: {  	s1 =	ssub.s32 @!p0 $0x0, s1;
	[sflag:s0] =	ssyncset.done @!p0 $0x0  }
0x5b: {  	[sflag:s0] =	ssyncadd.s32 @!p0 s1  }
0x5c: {  	[bflag:$0x3] =	sbarrier.arrive $0xFFFF  }
0x5d: {  	_ =	shalt  }

// kernel: kernel.8.cloned.1.call-start
scs
__scs_entry_jumppad:
0x0: {  	(pc) =	sbr.rel $0x88, $3  }
0x1: {  	(tag) =	ssettag $0x0;
	lr =	simm.s32 $0x1  }
0x2: {  	[smem:$0x3F9B] =	sst lr;
	_ =	strace $0xD0000000  }
0x3: {  	_ = 	snop  }
0x4: {  	_ = 	snop  }
0x5: {  	_ = 	snop  }
0x6: {  	_ = 	snop  }
0x7: {  	_ = 	snop  }
__scs_overlays_trampoline_lowered:
0x8: {  	[smem:$0x3FAA] =	sst s0  }
0x9: {  	[smem:$0x3FAB] =	sst s1  }
0xa: {  	[smem:$0x3FAC] =	sst s2  }
0xb: {  	[smem:$0x3FAD] =	sst s3  }
0xc: {  	[smem:$0x3FAE] =	sst s4  }
0xd: {  	[smem:$0x3FAF] =	sst s5  }
0xe: {  	[smem:$0x3FB0] =	sst s6  }
0xf: {  	[smem:$0x3FB1] =	sst s7  }
0x10: {  	[smem:$0x3FB2] =	sst s8  }
0x11: {  	[smem:$0x3FB3] =	sst s9;
	s0 =	simm.s32 @!p0 $0x0  }
0x12: {  	s1 =	sld [smem:$0x3F99];
	s0 =	simm.s32 @p0 $0x1  }
0x13: {  	[smem:$0x3FB4] =	sst s0;
	s0 =	simm.s32 @!p1 $0x0  }
0x14: {  	s2 =	sld [smem:$0x3F98];
	s0 =	simm.s32 @p1 $0x1  }
0x15: {  	[smem:$0x3FB5] =	sst s0;
	s0 =	simm.s32 @!p2 $0x0  }
0x16: {  	s3 =	sld [smem:$0x3FDB];
	s0 =	simm.s32 @p2 $0x1  }
0x17: {  	s4 =	simm.s32 $0x1BF5;
	[smem:$0x3FB7] =	sst s0  }
0x18: {  	s0 =	sld [smem:$0x3F9A];
	_ =	swait.ge [sflag:s4], $0x0  }
0x19: {  	s7 =	sld [smem:$0x3F9B]  }
0x1a: {  	s8 =	sadd.s32 $0xFFFFE003, lr  }
0x1b: {  	s9 =	sadd.s32 $0xFFFFFEF7, lr;
	s5 =	simm.s32 $0xFFFFFFFF;
	p2 =	slt.u32 s8, $0xFFFFF086  }
0x1c: {  	p1 =	slt.u32 s9, $0xF7A;
	s5 =	simm.s32 @!p2 $0x0  }
0x1d: {  	s5 =	simm.s32 @p1 $0x1;
	p0 =	seq.s32 s7, s2  }
0x1e: {  	s7 =	smul.u32 @!p0 $0xF7A, s2;
	p2 =	seq.s32 @!p0 s5, $0x0  }
0x1f: {  	s9 =	smul.u32 $0xF7A, s1;
	s8 =	simm.s32 @!p0 $0x1BF5;
	p2 =	por !p2, p0  }
0x20: {  	[sflag:s8] =	ssyncset.s32 @!p0 $0xFFFFF086;
	s6 =	sadd.s32 @!p0 s3, s7;
	s7 =	simm.s32 @!p0 $0x108  }
0x21: {  	s3 =	sadd.s32 s3, s9;
	s6 =	sadd.s32 @!p0 $0x88, s6;
	s7 =	simm.s32 @p2 $0x1082  }
0x22: {  	[simem:s7], [sflag:s8] =	dma.local @!p0 [hbm:s6], $0xF7A  }
0x23: {  	s9 =	sor.u32 $0xD0000000, s2;
	s6 =	simm.s32 $0x108;
	_ =	swait.ge @!p0 [sflag:s8], $0x0  }
0x24: {  	s3 =	sadd.s32 $0x88, s3;
	s6 =	simm.s32 @!p1 $0x1082;
	[sflag:s4] =	ssyncset.s32 $0xFFFFF086  }
0x25: {  	[simem:s6], [sflag:s4] =	dma.local [hbm:s3], $0xF7A  }
0x26: {  	[smem:$0x3F9B] =	sst s1;
	(tag) =	ssettag s2;
	_ =	strace s9  }
0x27: {  	s1 =	sld [smem:$0x3FAB]  }
0x28: {  	s2 =	sld [smem:$0x3FAC]  }
0x29: {  	s4 =	sld [smem:$0x3FAE]  }
0x2a: {  	p0 =	seq.s32 s5, $0x0;
	s5 =	sld [smem:$0x3FAF]  }
0x2b: {  	s6 =	sld [smem:$0x3FB0]  }
0x2c: {  	s7 =	sld [smem:$0x3FB1]  }
0x2d: {  	s3 =	simm.s32 $0x108;
	s8 =	sld [smem:$0x3FB2]  }
0x2e: {  	s3 =	simm.s32 @!p0 $0x1082;
	s9 =	sld [smem:$0x3FB3]  }
0x2f: {  	lr =	sadd.s32 s0, s3;
	s0 =	sld [smem:$0x3FAA]  }
0x30: {  	s3 =	sld [smem:$0x3FAD]  }
0x31: {  	[smem:$0x3FB6] =	sst s10  }
0x32: {  	s10 =	sld [smem:$0x3FB4];
	_ =	sdelay $0x3  }
0x33: {  	p0 =	seq.s32 s10, $0x1;
	s10 =	sld [smem:$0x3FB6];
	_ =	sdelay $0x3  }
0x34: {  	[smem:$0x3FB6] =	sst s10  }
0x35: {  	s10 =	sld [smem:$0x3FB5];
	_ =	sdelay $0x3  }
0x36: {  	p1 =	seq.s32 s10, $0x1;
	s10 =	sld [smem:$0x3FB6];
	_ =	sdelay $0x3  }
0x37: {  	[smem:$0x3FB6] =	sst s10  }
0x38: {  	s10 =	sld [smem:$0x3FB7]  }
0x39: {  	_ = 	snop;
	(pc) =	sbr.ind lr, $3  }
0x3a: {  	_ = 	snop  }
0x3b: {  	_ = 	snop  }
0x3c: {  	p2 =	seq.s32 s10, $0x1;
	s10 =	sld [smem:$0x3FB6]  }
0x3d: {  	_ =	shalt  }
0x3e: {  	_ =	shalt  }
0x3f: {  	_ =	shalt  }
0x40: {  	_ =	shalt  }
0x41: {  	_ =	shalt  }
0x42: {  	_ =	shalt  }
0x43: {  	_ =	shalt  }
0x44: {  	_ =	shalt  }
0x45: {  	_ =	shalt  }
0x46: {  	_ =	shalt  }
0x47: {  	_ =	shalt  }
0x48: {  	_ =	shalt  }
0x49: {  	_ =	shalt  }
0x4a: {  	_ =	shalt  }
0x4b: {  	_ =	shalt  }
0x4c: {  	_ =	shalt  }
0x4d: {  	_ =	shalt  }
0x4e: {  	_ =	shalt  }
0x4f: {  	_ =	shalt  }
0x50: {  	_ =	shalt  }
0x51: {  	_ =	shalt  }
0x52: {  	_ =	shalt  }
0x53: {  	_ =	shalt  }
0x54: {  	_ =	shalt  }
0x55: {  	_ =	shalt  }
0x56: {  	_ =	shalt  }
0x57: {  	_ =	shalt  }
0x58: {  	_ =	shalt  }
0x59: {  	_ =	shalt  }
0x5a: {  	_ =	shalt  }
0x5b: {  	_ =	shalt  }
0x5c: {  	_ =	shalt  }
0x5d: {  	_ =	shalt  }
0x5e: {  	_ =	shalt  }
0x5f: {  	_ =	shalt  }
0x60: {  	_ =	shalt  }
0x61: {  	_ =	shalt  }
0x62: {  	_ =	shalt  }
0x63: {  	_ =	shalt  }
0x64: {  	_ =	shalt  }
0x65: {  	_ =	shalt  }
0x66: {  	_ =	shalt  }
0x67: {  	_ =	shalt  }
0x68: {  	_ =	shalt  }
0x69: {  	_ =	shalt  }
0x6a: {  	_ =	shalt  }
0x6b: {  	_ =	shalt  }
0x6c: {  	_ =	shalt  }
0x6d: {  	_ =	shalt  }
0x6e: {  	_ =	shalt  }
0x6f: {  	_ =	shalt  }
0x70: {  	_ =	shalt  }
0x71: {  	_ =	shalt  }
0x72: {  	_ =	shalt  }
0x73: {  	_ =	shalt  }
0x74: {  	_ =	shalt  }
0x75: {  	_ =	shalt  }
0x76: {  	_ =	shalt  }
0x77: {  	_ =	shalt  }
0x78: {  	_ =	shalt  }
0x79: {  	_ =	shalt  }
0x7a: {  	_ =	shalt  }
0x7b: {  	_ =	shalt  }
0x7c: {  	_ =	shalt  }
0x7d: {  	_ =	shalt  }
0x7e: {  	_ =	shalt  }
0x7f: {  	_ =	shalt  }
0x80: {  	_ =	shalt  }
0x81: {  	_ =	shalt  }
0x82: {  	_ =	shalt  }
0x83: {  	_ =	shalt  }
0x84: {  	_ =	shalt  }
0x85: {  	_ =	shalt  }
0x86: {  	_ =	shalt  }
0x87: {  	_ =	shalt  }
.Lfunc_end0:
.L_simem_size_0:
called_computation_lowered:
.L_overlay_start_0:
0x88: {  	s2 =	sld [smem:$0x3FD9]  }
0x89: {  	s3 =	sld [smem:$0x3FFE];
	_ =	sdelay $0x1  }
0x8a: {  	s1 =	srdreg.scid  }
0x8b: {  	s0 =	sand.u32 $0x1, s1  }
0x8c: {  	s14 =	sshll.u32 s0, $0xA;
	s2 =	sadd.s32 s3, s2  }
0x8d: {  	s2 =	sadd.s32 s2, s14  }
0x8e: {  	[smem:$0x3FC2] =	sst s2  }
0x8f: {  	_ = 	snop  }
0x90: {  	s2 =	sld [smem:$0x3FD0];
	_ =	sdelay $0x2  }
0x91: {  	s4 =	simm.s32 $0xA;
	s5 =	simm.s32 $0x10;
	s15 =	sld [smem:$0x3FC9]  }
0x92: {  	[smem:s5], [sflag:s4] =	dma.local [hbm:s2], $0x1  }
0x93: {  	_ =	swait.eq [sflag:s4], $0x1  }
0x94: {  	[sflag:s4] =	ssyncset.done $0x0  }
0x95: {  	[sflag:s4] =	ssyncadd.s32 $0xFFFFFFFF  }
0x96: {  	s16 =	sld [smem:$0x10];
	(tm) =	ssettm $0x1  }
0x97: {  	s17 =	sld [smem:$0x3FFB];
	_ =	sdelay $0x3  }
0x98: {  	_ =	strace s17  }
0x99: {  	s4 =	sld [smem:$0x3FFC];
	_ =	sdelay $0x3  }
0x9a: {  	_ =	strace s4  }
0x9b: {  	s4 =	sld [smem:$0x3FFD];
	_ =	sdelay $0x3  }
0x9c: {  	_ =	strace s4  }
0x9d: {  	_ =	strace $0x8FFFFFFF  }
0x9e: {  	s18 =	sld [smem:$0x3FDB];
	_ =	sdelay $0x1  }
0x9f: {  	s19 =	simm.s32 $_scs_section_size  }
0xa0: {  	s6 =	simm.s32 $_size__tile_overlayer_lowered;
	s7 =	simm.s32 $_tile_overlayer_lowered  }
0xa1: {  	s22 =	simm.s32 $0x1BFF;
	s21 =	sshll.u32 s7, $0x1;
	s4 =	sadd.s32 s19, s18  }
0xa2: {  	s8 =	simm.s32 $0x0;
	s20 =	sshll.u32 s6, $0x1;
	s6 =	sadd.s32 s21, s4  }
0xa3: {  	[timem:s8], [sflag:s22] =	dma.local [hbm:s6], s20  }
0xa4: {  	_ =	swait.ge [sflag:s22], s20  }
0xa5: {  	s5 =	ssub.s32 $0x0, s20;
	[sflag:s22] =	ssyncset.done $0x0  }
0xa6: {  	[sflag:s22] =	ssyncadd.s32 s5;
	_ =	sdelay $0x1  }
0xa7: {  	s23 =	simm.s32 $0x1B8B  }
0xa8: {  	_ =	swait.ge [sflag:s23], $0x1  }
0xa9: {  	[sflag:s23] =	ssyncset.done $0x0  }
0xaa: {  	s25 =	simm.s32 $0x1B8E;
	s24 =	sld [smem:$0x3FFE];
	[sflag:s23] =	ssyncadd.s32 $0xFFFFFFFF  }
0xab: {  	s26 =	simm.s32 $execute0_lowered;
	[smem:$0x3FD2] =	sst s25  }
0xac: {  	s6 =	sshll.u32 s26, $0x1;
	_ =	strace $0x80000046;
	[dreg:$0x1] =	wrdreg $0xFFFFFFFF  }
0xad: {  	s28 =	simm.s32 $_size_execute0_lowered;
	s4 =	sadd.s32 s4, s6;
	[dreg:$0x0] =	wrdreg $0x0  }
0xae: {  	s6 =	sshll.u32 s28, $0x1;
	[dreg:$0x2] =	wrdreg s4  }
0xaf: {  	[dreg:$0x3] =	wrdreg s6  }
0xb0: {  	[dreg:$0x4] =	wrdreg $0xC0  }
0xb1: {  	_ =	task [dreg:s8], $0x5FFFF  }
0xb2: {  	[dreg:$0x1] =	wrdreg $0xFFFFFFFF  }
0xb3: {  	[dreg:$0x0] =	wrdreg $0x60  }
0xb4: {  	[dreg:$0x2] =	wrdreg s15  }
0xb5: {  	[dreg:$0x3] =	wrdreg s16  }
0xb6: {  	[dreg:$0x4] =	wrdreg s24  }
0xb7: {  	[dreg:$0x5] =	wrdreg $0x9  }
0xb8: {  	_ =	task.clear_ibuf [dreg:s8], $0x6FFFF;
	_ =	strace $0x90000046  }
0xb9: {  	s29 =	simm.s32 $0x9;
	_ =	strace $0x80000048  }
0xba: {  	_ =	swait.ge [sflag:s29], $0x1  }
0xbb: {  	[sflag:s29] =	ssyncadd.s32 $0xFFFFFFFF  }
0xbc: {  	_ =	strace $0x90000048  }
0xbd: {  	_ =	sfence  }
0xbe: {  	s30 =	sld [smem:$0x0];
	_ =	sdelay $0x2  }
0xbf: {  	s31 =	sshll.u32 s1, $0xD;
	s1 =	sshrl.u32 s1, $0x2  }
0xc0: {  	s3 =	sand.u32 $0x4000, s31;
	s1 =	sadd.s32 s1, s30  }
0xc1: {  	s0 =	sor.u32 s3, s0;
	s1 =	sshll.u32 s1, $0x11  }
0xc2: {  	s0 =	sor.u32 s1, s0  }
0xc3: {  	s0 =	sadd.s32 $0x8F2B, s0  }
0xc4: {  	[sflag:s0] =	ssyncadd.remote.s32 $0x1  }
0xc5: {  	_ =	sfence.sel $0xFFFF  }
0xc6: {  	[dreg:$0x0] =	wrdreg $0xFFFFFFFF;
	(pc) =	sbr.abs _section_cstart, $3  }
0xc7: {  	[dreg:$0x1] =	wrdreg $0xFFFFFFFF  }
0xc8: {  	_ =	task.clear_ibuf [dreg:s8], $0x2FFFF;
	_ =	strace $0x9FFFFFFF  }
0xc9: {  	(tm) =	ssettm $0x7FFFFFFF  }
tec
execute0_lowered:
.L_overlay_start_1:
0x0: {  	(tag) =	ssettag $0x1  }
0x1: {  	s8 =	rddreg [dreg:$0x0]  }
0x2: {  	s9 =	rddreg [dreg:$0x1]  }
0x3: {  	s6 =	rddreg [dreg:$0x2]  }
0x4: {  	s1 =	simm.s32 $0x0;
	s2 =	srdreg.scid;
	s14 =	simm.s32 $0x1880  }
0x5: {  	s15 =	simm.s32 $0x2080;
	s16 =	simm.s32 $0x2880;
	s17 =	simm.s32 $0x3080  }
0x6: {  	s18 =	simm.s32 $0x3880;
	s19 =	simm.s32 $0x4080;
	s20 =	simm.s32 $0x4880  }
0x7: {  	s21 =	simm.s32 $0x5080;
	s22 =	simm.s32 $0x5880;
	s23 =	simm.s32 $0x6080  }
0x8: {  	s24 =	simm.s32 $0x6880;
	s25 =	simm.s32 $0x7080;
	s26 =	simm.s32 $0x7880  }
0x9: {  	s28 =	simm.s32 $0x1;
	s29 =	simm.s32 $0x0;
	[smem:$0x7FF] =	sst s1  }
0xa: {  	s10 =	sand.u32 $0x1, s2;
	s3 =	sadd.s32 $0x2000, s6;
	s2 =	stileid.u32  }
0xb: {  	_ =	strace $0x80000047;
	s4 =	ssub.s32 $0x2, s10;
	s11 =	sshll.u32 s2, $0x9  }
0xc: {  	s12 =	sshll.u32 s10, $0x8;
	s13 =	sshll.u32 s2, $0x10;
	s10 =	sshll.u32 s10, $0xF  }
0xd: {  	s5 =	sshrl.u32 s4, $0x1;
	s11 =	sor.u32 s12, s11;
	s8 =	sadd.s32 s13, s8  }
0xe: {  	s12 =	simm.s32 $0x880;
	s13 =	simm.s32 $0x1080;
	s7 =	ssub.s32 s4, s5  }
0xf: {  	v2 =	vlaneseq.u32;
	s4 =	sadd.s32 $0x2100, s6;
	s5 =	sadd.s32 $0x2200, s6;
	s6 =	sadd.s32 $0x2300, s6  }
0x10: {  	vm0 =	vmmov $0xffff;
	v1 =	vshrl.u32 v2, $0x3;
	s11 =	sshrl.u32 s11, $0x3;
	s8 =	sadd.s32 s10, s8;
	s10 =	simm.s32 $0x2  }
0x11: {  	v0 =	vand.u32 $0x7, v2;
	v2 =	vor.u32 $0x8, v2;
	v1 =	vmul.u32 $0x8, v1;
	s7 =	smax.u32 s7, $0x1;
	s9 =	sadd.s32 s11, s9;
	s11 =	simm.s32 $0x80  }
.LBB2_1:
0x12: {  	s30 =	smov.u32 s8;
	s31 =	simm.s32 $0x0  }
.LBB2_2:
0x13: {  	s0 =	sadd.s32 s31, s9  }
0x14: {  	[tilespmem:s1], [sflag:$0x2] =	stream.linear.gather [hbm4b:s0+s1], $0x20, $0x38;
	[tilespmem:$0x8080] =	vst v63  }
0x15: {  	_ =	swait.ge [sflag:s10], $0x20  }
0x16: {  	[sflag:s10] =	ssyncset.done $0x0  }
0x17: {  	[sflag:s10] =	ssyncadd.s32 $0xFFFFFFE0  }
0x18: {  	[tilespmem:s11], [sflag:$0x2] =	stream.linear.gather [hbm4b:s30+s1], $0x8000, $0x38;
	[tilespmem:$0x8080] =	vst v63  }
0x19: {  	_ =	swait.ge [sflag:s10], $0x8000  }
0x1a: {  	[sflag:s10] =	ssyncset.done $0x0  }
0x1b: {  	[sflag:s10] =	ssyncadd.s32 $0xFFFF8000  }
0x1c: {  	v3 =	vld [tilespmem:$0x0];
	_ =	sdelay $0x4  }
0x1d: {  	v4 =	vshll.u32 v3, $0x3  }
0x1e: {  	v3 =	vand.u32 $0x7, v3;
	v4 =	vand.u32 $0xFFFFFFC0, v4  }
0x1f: {  	v3 =	vor.u32 v3, v4  }
0x20: {  	v4 =	vperm.xlane v3, v0;
	_ =	sdelay $0x1  }
0x21: {  	v4 =	vadd.s32 v1, v4;
	_ =	sdelay $0x4  }
0x22: {  	[hbm4b:s3+s1] =	stream.indirect_vreg.scatter [tilespmem:s11], [sflag:$0x1], $0x80, v4, vm0, $0xb8;
	[tilespmem:$0x8080] =	vst v63  }
0x23: {  	v3 =	vperm.xlane v3, v2  }
0x24: {  	[hbm4b:s4+s1] =	stream.indirect_vreg.scatter [tilespmem:s12], [sflag:$0x1], $0x80, v4, vm0, $0xb8;
	[tilespmem:$0x8080] =	vst v63  }
0x25: {  	v3 =	vadd.s32 v1, v3  }
0x26: {  	[hbm4b:s5+s1] =	stream.indirect_vreg.scatter [tilespmem:s13], [sflag:$0x1], $0x80, v4, vm0, $0xb8;
	[tilespmem:$0x8080] =	vst v63  }
0x27: {  	_ = 	snop  }
0x28: {  	[hbm4b:s6+s1] =	stream.indirect_vreg.scatter [tilespmem:s14], [sflag:$0x1], $0x80, v4, vm0, $0xb8;
	[tilespmem:$0x8080] =	vst v63  }
0x29: {  	_ = 	snop  }
0x2a: {  	[hbm4b:s3+s1] =	stream.indirect_vreg.scatter [tilespmem:s15], [sflag:$0x1], $0x80, v3, vm0, $0xb8;
	[tilespmem:$0x8080] =	vst v63  }
0x2b: {  	_ = 	snop  }
0x2c: {  	[hbm4b:s4+s1] =	stream.indirect_vreg.scatter [tilespmem:s16], [sflag:$0x1], $0x80, v3, vm0, $0xb8;
	[tilespmem:$0x8080] =	vst v63  }
0x2d: {  	_ = 	snop  }
0x2e: {  	[hbm4b:s5+s1] =	stream.indirect_vreg.scatter [tilespmem:s17], [sflag:$0x1], $0x80, v3, vm0, $0xb8;
	[tilespmem:$0x8080] =	vst v63  }
0x2f: {  	_ = 	snop  }
0x30: {  	[hbm4b:s6+s1] =	stream.indirect_vreg.scatter [tilespmem:s18], [sflag:$0x1], $0x80, v3, vm0, $0xb8;
	[tilespmem:$0x8080] =	vst v63  }
0x31: {  	v3 =	vld [tilespmem:$0x10];
	_ =	sdelay $0x4  }
0x32: {  	v63 =	vshll.u32 v3, $0x3  }
0x33: {  	v3 =	vand.u32 $0x7, v3;
	v4 =	vand.u32 $0xFFFFFFC0, v63  }
0x34: {  	v3 =	vor.u32 v3, v4  }
0x35: {  	v4 =	vperm.xlane v3, v0;
	_ =	sdelay $0x1  }
0x36: {  	v4 =	vadd.s32 v1, v4;
	_ =	sdelay $0x4  }
0x37: {  	[hbm4b:s3+s1] =	stream.indirect_vreg.scatter [tilespmem:s19], [sflag:$0x1], $0x80, v4, vm0, $0xb8;
	[tilespmem:$0x8080] =	vst v63  }
0x38: {  	v3 =	vperm.xlane v3, v2  }
0x39: {  	[hbm4b:s4+s1] =	stream.indirect_vreg.scatter [tilespmem:s20], [sflag:$0x1], $0x80, v4, vm0, $0xb8;
	[tilespmem:$0x8080] =	vst v63  }
0x3a: {  	v3 =	vadd.s32 v1, v3  }
0x3b: {  	[hbm4b:s5+s1] =	stream.indirect_vreg.scatter [tilespmem:s21], [sflag:$0x1], $0x80, v4, vm0, $0xb8;
	[tilespmem:$0x8080] =	vst v63  }
0x3c: {  	_ = 	snop  }
0x3d: {  	[hbm4b:s6+s1] =	stream.indirect_vreg.scatter [tilespmem:s22], [sflag:$0x1], $0x80, v4, vm0, $0xb8;
	[tilespmem:$0x8080] =	vst v63  }
0x3e: {  	_ = 	snop  }
0x3f: {  	[hbm4b:s3+s1] =	stream.indirect_vreg.scatter [tilespmem:s23], [sflag:$0x1], $0x80, v3, vm0, $0xb8;
	[tilespmem:$0x8080] =	vst v63  }
0x40: {  	_ = 	snop  }
0x41: {  	[hbm4b:s4+s1] =	stream.indirect_vreg.scatter [tilespmem:s24], [sflag:$0x1], $0x80, v3, vm0, $0xb8;
	[tilespmem:$0x8080] =	vst v63  }
0x42: {  	p0 =	sne.s32 s31, $0x1C  }
0x43: {  	[hbm4b:s5+s1] =	stream.indirect_vreg.scatter [tilespmem:s25], [sflag:$0x1], $0x80, v3, vm0, $0xb8;
	[tilespmem:$0x8080] =	vst v63  }
.Ltmp0:
0x44: {  	_ = 	snop;
	(pc) =	sbr.rel @p0 .LBB2_2-.Ltmp0, $4  }
0x45: {  	[hbm4b:s6+s1] =	stream.indirect_vreg.scatter [tilespmem:s26], [sflag:$0x1], $0x80, v3, vm0, $0xb8;
	[tilespmem:$0x8080] =	vst v63  }
0x46: {  	_ =	swait.ge [sflag:s28], $0x8000  }
0x47: {  	[sflag:s28] =	ssyncset.done $0x0  }
0x48: {  	s31 =	sadd.s32 $0x4, s31;
	s30 =	sadd.s32 $0x1000, s30;
	[sflag:s28] =	ssyncadd.s32 $0xFFFF8000  }
0x49: {  	s29 =	sadd.s32 $0x1, s29  }
0x4a: {  	p0 =	sne.s32 s29, s7  }
.Ltmp1:
0x4b: {  	_ = 	snop;
	(pc) =	sbr.rel @p0 .LBB2_1-.Ltmp1, $1  }
0x4c: {  	_ =	sdelay $0x3  }
0x4d: {  	_ =	sfence.sel $0x180000  }
0x4e: {  	[bflag:$0x0] =	sbarrier.arrive $0xFFFF  }
0x4f: {  	_ =	strace $0x90000047  }
0x50: {  	[bflag:$0x2] =	sbarrier.arrive $0xFFFF  }
0x51: {  	p0 =	sne.s32 s2, $0x0;
	s0 =	rddreg [dreg:$0x3]  }
0x52: {  	s0 =	sadd.s32 @!p0 $0x100000, s0  }
0x53: {  	[sflag:s0] =	ssyncadd.tile.s32 @!p0 $0x1;
	_ =	shalt  }
.Lfunc_end2:
_tile_overlayer_lowered:
.L_overlay_start_2:
0x54: {  	(tag) =	ssettag $0x2  }
0x55: {  	s0 =	rddreg [dreg:$0x0];
	s2 =	stileid.u32  }
0x56: {  	s1 =	rddreg [dreg:$0x1];
	p0 =	sne.s32 s2, $0x0  }
0x57: {  	s3 =	rddreg [dreg:$0x2];
	[bflag:$0x3] =	sbarrier.arrive $0xFFFF;
	s2 =	simm.s32 @!p0 $0x1C02  }
0x58: {  	[timem:s3], [sflag:s2] =	dma.local @!p0 [hbm:s0], s1  }
0x59: {  	s0 =	simm.s32 @!p0 $0x2  }
0x5a: {  	_ =	swait.ge @!p0 [sflag:s0], s1  }
0x5b: {  	s1 =	ssub.s32 @!p0 $0x0, s1;
	[sflag:s0] =	ssyncset.done @!p0 $0x0  }
0x5c: {  	[sflag:s0] =	ssyncadd.s32 @!p0 s1  }
0x5d: {  	[bflag:$0x3] =	sbarrier.arrive $0xFFFF  }
0x5e: {  	_ =	shalt  }

</sc_bundles>
